<compile_context>
chip_gen: v7x
topology: tpu7x:2x2x1
jax: 0.10.2.dev20260603
libtpu: 0.0.44.dev20260713+nightly
codegen_flags: <defaults>
</compile_context>

<pallas_src>
import functools

import jax
import jax.numpy as jnp
from jax import lax
from jax.experimental import pallas as pl
from jax.experimental.pallas import tpu as pltpu
from jax.experimental.pallas import tpu_sc as plsc

_ROWS = 4096
_SEQ = 200
_D = 128
_B = _ROWS * _SEQ
_NC = 2
_NS = 16
_NW = _NC * _NS
_BPW = _B // _NW
_CHUNK = 128
_NBUF = 4
_NCHUNK = _BPW // _CHUNK
_NSTEP = _BPW // (_CHUNK * _NBUF)


def _emb_body(idx_hbm, table_hbm, out_hbm, idx_v, rows_v, *sems):
    gsems = sems[:_NBUF]
    wsems = sems[_NBUF:]
    wid = lax.axis_index("s") * _NC + lax.axis_index("c")
    base = wid * _BPW

    def step(t, carry):
        gathers = []
        for b in range(_NBUF):
            g = t * _NBUF + b
            off = base + g * _CHUNK

            @pl.when(t > 0)
            def _wait_prev_write(b=b, off=off):
                pltpu.make_async_copy(
                    rows_v.at[b], out_hbm.at[pl.ds(off, _CHUNK)], wsems[b]
                ).wait()

            pltpu.sync_copy(idx_hbm.at[wid * _NCHUNK + g], idx_v.at[b])
            gathers.append(
                pltpu.async_copy(table_hbm.at[idx_v.at[b]], rows_v.at[b], gsems[b])
            )
        for b in range(_NBUF):
            off = base + (t * _NBUF + b) * _CHUNK
            gathers[b].wait()
            pltpu.async_copy(rows_v.at[b], out_hbm.at[pl.ds(off, _CHUNK)], wsems[b])
        return carry

    lax.fori_loop(0, _NSTEP, step, 0)
    for b in range(_NBUF):
        pltpu.make_async_copy(
            rows_v.at[b], out_hbm.at[pl.ds(base, _CHUNK)], wsems[b]
        ).wait()


@jax.jit
def _emb(idx_flat, W):
    mesh = plsc.VectorSubcoreMesh(core_axis_name="c", subcore_axis_name="s")
    kern = functools.partial(
        pl.kernel,
        mesh=mesh,
        out_type=jax.ShapeDtypeStruct((_B, _D), jnp.float32),
        scratch_types=[
            pltpu.VMEM((_NBUF, _CHUNK), jnp.int32),
            pltpu.VMEM((_NBUF, _CHUNK, _D), jnp.float32),
        ]
        + [pltpu.SemaphoreType.DMA] * (2 * _NBUF),
    )(_emb_body)
    return kern(idx_flat, W)


def kernel(x, W):
    idx_flat = x.reshape(_B // _CHUNK, _CHUNK).astype(jnp.int32)
    out = _emb(idx_flat, W)
    return out.reshape(_ROWS, _SEQ, _D)

# --- scband reference (transcript-rebuilt; emitter-appended) ---
"""Pipeline reference for scband-embedding-16260746182947 (READ-ONLY COPY).

The authoritative reference and input builder live on the scoring server;
editing this copy changes nothing except your own understanding.
"""

import jax, jax.numpy as jnp
import numpy as np

NUM_EMBEDDINGS = 100000
EMBEDDING_DIM = 128

def setup_inputs(seed: int = 0) -> dict:
    key = jax.random.key(seed)
    k_idx, k_w = jax.random.split(key)
    x = jax.random.randint(k_idx, (4096, 200), 0, NUM_EMBEDDINGS, dtype=jnp.int64 if jax.config.jax_enable_x64 else jnp.int32)
    # trunc_normal_(mean=0, std=1, a=-3, b=3)
    W = jax.random.truncated_normal(k_w, -3.0, 3.0, (NUM_EMBEDDINGS, EMBEDDING_DIM), dtype=jnp.float32)
    return {"x": x, "W": W}

def reference(x, W):
    # Embedding.forward: return self.W[x]
    return jnp.take(W, x, axis=0)

if __name__ == "__main__":
    import jax
    _d = setup_inputs()
    print(jax.jit(kernel)(*tuple(_d.values())))

</pallas_src>

<mosaic_0001>
#map = affine_map<(d0, d1) -> (0, 0)>
module attributes {stable_mosaic.version = 14 : i64} {
  func.func @_emb_body(%arg0: i32, %arg1: i32, %arg2: memref<6400x128xi32, #tpu.memory_space<hbm>>, %arg3: memref<100000x128xf32, #tpu.memory_space<hbm>>, %arg4: memref<819200x128xf32, #tpu.memory_space<hbm>>, %arg5: memref<4x128xi32, #tpu.memory_space<vmem>>, %arg6: memref<4x128x128xf32, #tpu.memory_space<vmem>>, %arg7: memref<!tpu.dma_semaphore, #tpu.memory_space<semaphore_mem>>, %arg8: memref<!tpu.dma_semaphore, #tpu.memory_space<semaphore_mem>>, %arg9: memref<!tpu.dma_semaphore, #tpu.memory_space<semaphore_mem>>, %arg10: memref<!tpu.dma_semaphore, #tpu.memory_space<semaphore_mem>>, %arg11: memref<!tpu.dma_semaphore, #tpu.memory_space<semaphore_mem>>, %arg12: memref<!tpu.dma_semaphore, #tpu.memory_space<semaphore_mem>>, %arg13: memref<!tpu.dma_semaphore, #tpu.memory_space<semaphore_mem>>, %arg14: memref<!tpu.dma_semaphore, #tpu.memory_space<semaphore_mem>>) attributes {dimension_semantics = [#tpu.dimension_semantics<core_parallel>, #tpu.dimension_semantics<subcore_parallel>], iteration_bounds = array<i64: 2, 16>, scalar_prefetch = 0 : i64, scratch_operands = 10 : i64, tpu.core_type = #tpu.core_type<sc_vector_subcore>, window_params = [{transform_indices = #map}, {transform_indices = #map}, {transform_indices = #map}]} {
    %mul3A = arith.constant 2 : i32
    %mul3A_0 = arith.muli %arg1, %mul3A : i32
    %add3A = arith.addi %mul3A_0, %arg0 : i32
    %mul3A_1 = arith.constant 25600 : i32
    %mul3A_2 = arith.muli %add3A, %mul3A_1 : i32
    %scan3A = arith.constant 0 : i32
    %scan3A_3 = arith.constant 0 : i32
    %scan3A_4 = arith.constant 50 : i32
    %scan3A_5 = arith.addi %scan3A_3, %scan3A_4 : i32
    %scan3A_6 = arith.constant 1 : i32
    scf.for %scan3A_59 = %scan3A_3 to %scan3A_5 step %scan3A_6  : i32 {
      %mul3A_60 = arith.constant 4 : i32
      %mul3A_61 = arith.muli %scan3A_59, %mul3A_60 : i32
      %add3A_62 = arith.constant 0 : i32
      %add3A_63 = arith.addi %mul3A_61, %add3A_62 : i32
      %mul3A_64 = arith.constant 128 : i32
      %mul3A_65 = arith.muli %add3A_63, %mul3A_64 : i32
      %add3A_66 = arith.addi %mul3A_2, %mul3A_65 : i32
      %gt3A = arith.constant 0 : i32
      %gt3A_67 = arith.cmpi sgt, %scan3A_59, %gt3A : i32
      %convert_element_type3A = arith.extui %gt3A_67 : i1 to i32
      %cond3A = arith.constant 0 : i32
      %cond3A_68 = arith.cmpi ne, %convert_element_type3A, %cond3A : i32
      scf.if %cond3A_68 {
        %dma_wait3A_295 = arith.constant 0 : i32
        %dma_wait3A_296 = arith.constant 0 : i32
        %dma_wait3A_297 = arith.constant 0 : i32
        %dma_wait3A_298 = tpu.memref_slice %arg6[%dma_wait3A_295, %dma_wait3A_296, %dma_wait3A_297] : memref<4x128x128xf32, #tpu.memory_space<vmem>> -> memref<1x128x128xf32, #tpu.memory_space<vmem>>
        %dma_wait3A_299 = tpu.memref_squeeze %dma_wait3A_298 : memref<1x128x128xf32, #tpu.memory_space<vmem>> -> memref<128x128xf32, #tpu.memory_space<vmem>>
        %dma_wait3A_300 = arith.constant 0 : i32
        %dma_wait3A_301 = tpu.memref_slice %arg4[%add3A_66, %dma_wait3A_300] : memref<819200x128xf32, #tpu.memory_space<hbm>> -> memref<128x128xf32, #tpu.memory_space<hbm>>
        %dma_wait3A_302 = arith.constant 0 : i32
        %dma_wait3A_303 = tpu.memref_slice %arg4[%add3A_66, %dma_wait3A_302] : memref<819200x128xf32, #tpu.memory_space<hbm>> -> memref<128x128xf32, #tpu.memory_space<hbm>>
        %dma_wait3A_304 = arith.constant 0 : i32
        %dma_wait3A_305 = arith.constant 0 : i32
        %dma_wait3A_306 = tpu.memref_slice %arg6[%dma_wait3A_295, %dma_wait3A_304, %dma_wait3A_305] : memref<4x128x128xf32, #tpu.memory_space<vmem>> -> memref<1x128x128xf32, #tpu.memory_space<vmem>>
        %dma_wait3A_307 = tpu.memref_squeeze %dma_wait3A_306 : memref<1x128x128xf32, #tpu.memory_space<vmem>> -> memref<128x128xf32, #tpu.memory_space<vmem>>
        tpu.wait_dma2 semaphore(%arg11 : memref<!tpu.dma_semaphore, #tpu.memory_space<semaphore_mem>>) src(%dma_wait3A_307 : memref<128x128xf32, #tpu.memory_space<vmem>>) dst(%dma_wait3A_303 : memref<128x128xf32, #tpu.memory_space<hbm>>)
      } else {
      }
      %mul3A_69 = arith.constant 200 : i32
      %mul3A_70 = arith.muli %add3A, %mul3A_69 : i32
      %add3A_71 = arith.addi %mul3A_70, %add3A_63 : i32
      %run_scoped3A = arith.constant 0 : i32
      "tpu.region"() ({
        %run_scoped3A_295 = tpu.sem_alloc : memref<!tpu.dma_semaphore, #tpu.memory_space<semaphore_mem>>
        %dma_start3A_296 = arith.constant 0 : i32
        %dma_start3A_297 = tpu.memref_slice %arg5[%run_scoped3A, %dma_start3A_296] : memref<4x128xi32, #tpu.memory_space<vmem>> -> memref<1x128xi32, #tpu.memory_space<vmem>>
        %dma_start3A_298 = tpu.memref_squeeze %dma_start3A_297 : memref<1x128xi32, #tpu.memory_space<vmem>> -> memref<128xi32, #tpu.memory_space<vmem>>
        %dma_start3A_299 = arith.constant 0 : i32
        %dma_start3A_300 = tpu.memref_slice %arg2[%add3A_71, %dma_start3A_299] : memref<6400x128xi32, #tpu.memory_space<hbm>> -> memref<1x128xi32, #tpu.memory_space<hbm>>
        %dma_start3A_301 = tpu.memref_squeeze %dma_start3A_300 : memref<1x128xi32, #tpu.memory_space<hbm>> -> memref<128xi32, #tpu.memory_space<hbm>>
        %dma_start3A_302 = arith.constant 0 : i32
        %dma_start3A_303 = tpu.memref_slice %arg5[%run_scoped3A, %dma_start3A_302] : memref<4x128xi32, #tpu.memory_space<vmem>> -> memref<1x128xi32, #tpu.memory_space<vmem>>
        %dma_start3A_304 = tpu.memref_squeeze %dma_start3A_303 : memref<1x128xi32, #tpu.memory_space<vmem>> -> memref<128xi32, #tpu.memory_space<vmem>>
        %dma_start3A_305 = arith.constant 0 : i32
        %dma_start3A_306 = tpu.memref_slice %arg2[%add3A_71, %dma_start3A_305] : memref<6400x128xi32, #tpu.memory_space<hbm>> -> memref<1x128xi32, #tpu.memory_space<hbm>>
        %dma_start3A_307 = tpu.memref_squeeze %dma_start3A_306 : memref<1x128xi32, #tpu.memory_space<hbm>> -> memref<128xi32, #tpu.memory_space<hbm>>
        tpu.enqueue_dma source(%dma_start3A_307 : memref<128xi32, #tpu.memory_space<hbm>>) target(%dma_start3A_304 : memref<128xi32, #tpu.memory_space<vmem>>) target_semaphore(%run_scoped3A_295 : memref<!tpu.dma_semaphore, #tpu.memory_space<semaphore_mem>>)
        %dma_wait3A_308 = arith.constant 0 : i32
        %dma_wait3A_309 = tpu.memref_slice %arg5[%run_scoped3A, %dma_wait3A_308] : memref<4x128xi32, #tpu.memory_space<vmem>> -> memref<1x128xi32, #tpu.memory_space<vmem>>
        %dma_wait3A_310 = tpu.memref_squeeze %dma_wait3A_309 : memref<1x128xi32, #tpu.memory_space<vmem>> -> memref<128xi32, #tpu.memory_space<vmem>>
        %dma_wait3A_311 = arith.constant 0 : i32
        %dma_wait3A_312 = tpu.memref_slice %arg2[%add3A_71, %dma_wait3A_311] : memref<6400x128xi32, #tpu.memory_space<hbm>> -> memref<1x128xi32, #tpu.memory_space<hbm>>
        %dma_wait3A_313 = tpu.memref_squeeze %dma_wait3A_312 : memref<1x128xi32, #tpu.memory_space<hbm>> -> memref<128xi32, #tpu.memory_space<hbm>>
        %dma_wait3A_314 = arith.constant 0 : i32
        %dma_wait3A_315 = tpu.memref_slice %arg5[%run_scoped3A, %dma_wait3A_314] : memref<4x128xi32, #tpu.memory_space<vmem>> -> memref<1x128xi32, #tpu.memory_space<vmem>>
        %dma_wait3A_316 = tpu.memref_squeeze %dma_wait3A_315 : memref<1x128xi32, #tpu.memory_space<vmem>> -> memref<128xi32, #tpu.memory_space<vmem>>
        %dma_wait3A_317 = arith.constant 0 : i32
        %dma_wait3A_318 = tpu.memref_slice %arg2[%add3A_71, %dma_wait3A_317] : memref<6400x128xi32, #tpu.memory_space<hbm>> -> memref<1x128xi32, #tpu.memory_space<hbm>>
        %dma_wait3A_319 = tpu.memref_squeeze %dma_wait3A_318 : memref<1x128xi32, #tpu.memory_space<hbm>> -> memref<128xi32, #tpu.memory_space<hbm>>
        tpu.wait_dma2 semaphore(%run_scoped3A_295 : memref<!tpu.dma_semaphore, #tpu.memory_space<semaphore_mem>>) src(%dma_wait3A_319 : memref<128xi32, #tpu.memory_space<hbm>>) dst(%dma_wait3A_316 : memref<128xi32, #tpu.memory_space<vmem>>)
        tpu.yield
      }) : () -> ()
      %dma_start3A = arith.constant 0 : i32
      %dma_start3A_72 = arith.constant 0 : i32
      %dma_start3A_73 = arith.constant 0 : i32
      %dma_start3A_74 = arith.constant 0 : i32
      %dma_start3A_75 = tpu.memref_slice %arg6[%dma_start3A_72, %dma_start3A_73, %dma_start3A_74] : memref<4x128x128xf32, #tpu.memory_space<vmem>> -> memref<1x128x128xf32, #tpu.memory_space<vmem>>
      %dma_start3A_76 = tpu.memref_squeeze %dma_start3A_75 : memref<1x128x128xf32, #tpu.memory_space<vmem>> -> memref<128x128xf32, #tpu.memory_space<vmem>>
      %dma_start3A_77 = arith.constant 0 : i32
      %dma_start3A_78 = tpu.memref_slice %arg5[%dma_start3A, %dma_start3A_77] : memref<4x128xi32, #tpu.memory_space<vmem>> -> memref<1x128xi32, #tpu.memory_space<vmem>>
      %dma_start3A_79 = tpu.memref_squeeze %dma_start3A_78 : memref<1x128xi32, #tpu.memory_space<vmem>> -> memref<128xi32, #tpu.memory_space<vmem>>
      %dma_start3A_80 = arith.constant 0 : i32
      %dma_start3A_81 = arith.constant 0 : i32
      %dma_start3A_82 = tpu.memref_slice %arg3[%dma_start3A_80, %dma_start3A_81] : memref<100000x128xf32, #tpu.memory_space<hbm>> -> memref<100000x128xf32, #tpu.memory_space<hbm>>
      tpu.enqueue_indirect_dma source(%dma_start3A_82 : memref<100000x128xf32, #tpu.memory_space<hbm>>) target(%dma_start3A_76 : memref<128x128xf32, #tpu.memory_space<vmem>>) offsets(%dma_start3A_79 : memref<128xi32, #tpu.memory_space<vmem>>) semaphore(%arg7 : memref<!tpu.dma_semaphore, #tpu.memory_space<semaphore_mem>>)
      %mul3A_83 = arith.constant 4 : i32
      %mul3A_84 = arith.muli %scan3A_59, %mul3A_83 : i32
      %add3A_85 = arith.constant 1 : i32
      %add3A_86 = arith.addi %mul3A_84, %add3A_85 : i32
      %mul3A_87 = arith.constant 128 : i32
      %mul3A_88 = arith.muli %add3A_86, %mul3A_87 : i32
      %add3A_89 = arith.addi %mul3A_2, %mul3A_88 : i32
      %gt3A_90 = arith.constant 0 : i32
      %gt3A_91 = arith.cmpi sgt, %scan3A_59, %gt3A_90 : i32
      %convert_element_type3A_92 = arith.extui %gt3A_91 : i1 to i32
      %cond3A_93 = arith.constant 0 : i32
      %cond3A_94 = arith.cmpi ne, %convert_element_type3A_92, %cond3A_93 : i32
      scf.if %cond3A_94 {
        %dma_wait3A_295 = arith.constant 1 : i32
        %dma_wait3A_296 = arith.constant 0 : i32
        %dma_wait3A_297 = arith.constant 0 : i32
        %dma_wait3A_298 = tpu.memref_slice %arg6[%dma_wait3A_295, %dma_wait3A_296, %dma_wait3A_297] : memref<4x128x128xf32, #tpu.memory_space<vmem>> -> memref<1x128x128xf32, #tpu.memory_space<vmem>>
        %dma_wait3A_299 = tpu.memref_squeeze %dma_wait3A_298 : memref<1x128x128xf32, #tpu.memory_space<vmem>> -> memref<128x128xf32, #tpu.memory_space<vmem>>
        %dma_wait3A_300 = arith.constant 0 : i32
        %dma_wait3A_301 = tpu.memref_slice %arg4[%add3A_89, %dma_wait3A_300] : memref<819200x128xf32, #tpu.memory_space<hbm>> -> memref<128x128xf32, #tpu.memory_space<hbm>>
        %dma_wait3A_302 = arith.constant 0 : i32
        %dma_wait3A_303 = tpu.memref_slice %arg4[%add3A_89, %dma_wait3A_302] : memref<819200x128xf32, #tpu.memory_space<hbm>> -> memref<128x128xf32, #tpu.memory_space<hbm>>
        %dma_wait3A_304 = arith.constant 0 : i32
        %dma_wait3A_305 = arith.constant 0 : i32
        %dma_wait3A_306 = tpu.memref_slice %arg6[%dma_wait3A_295, %dma_wait3A_304, %dma_wait3A_305] : memref<4x128x128xf32, #tpu.memory_space<vmem>> -> memref<1x128x128xf32, #tpu.memory_space<vmem>>
        %dma_wait3A_307 = tpu.memref_squeeze %dma_wait3A_306 : memref<1x128x128xf32, #tpu.memory_space<vmem>> -> memref<128x128xf32, #tpu.memory_space<vmem>>
        tpu.wait_dma2 semaphore(%arg12 : memref<!tpu.dma_semaphore, #tpu.memory_space<semaphore_mem>>) src(%dma_wait3A_307 : memref<128x128xf32, #tpu.memory_space<vmem>>) dst(%dma_wait3A_303 : memref<128x128xf32, #tpu.memory_space<hbm>>)
      } else {
      }
      %mul3A_95 = arith.constant 200 : i32
      %mul3A_96 = arith.muli %add3A, %mul3A_95 : i32
      %add3A_97 = arith.addi %mul3A_96, %add3A_86 : i32
      %run_scoped3A_98 = arith.constant 1 : i32
      "tpu.region"() ({
        %run_scoped3A_295 = tpu.sem_alloc : memref<!tpu.dma_semaphore, #tpu.memory_space<semaphore_mem>>
        %dma_start3A_296 = arith.constant 0 : i32
        %dma_start3A_297 = tpu.memref_slice %arg5[%run_scoped3A_98, %dma_start3A_296] : memref<4x128xi32, #tpu.memory_space<vmem>> -> memref<1x128xi32, #tpu.memory_space<vmem>>
        %dma_start3A_298 = tpu.memref_squeeze %dma_start3A_297 : memref<1x128xi32, #tpu.memory_space<vmem>> -> memref<128xi32, #tpu.memory_space<vmem>>
        %dma_start3A_299 = arith.constant 0 : i32
        %dma_start3A_300 = tpu.memref_slice %arg2[%add3A_97, %dma_start3A_299] : memref<6400x128xi32, #tpu.memory_space<hbm>> -> memref<1x128xi32, #tpu.memory_space<hbm>>
        %dma_start3A_301 = tpu.memref_squeeze %dma_start3A_300 : memref<1x128xi32, #tpu.memory_space<hbm>> -> memref<128xi32, #tpu.memory_space<hbm>>
        %dma_start3A_302 = arith.constant 0 : i32
        %dma_start3A_303 = tpu.memref_slice %arg5[%run_scoped3A_98, %dma_start3A_302] : memref<4x128xi32, #tpu.memory_space<vmem>> -> memref<1x128xi32, #tpu.memory_space<vmem>>
        %dma_start3A_304 = tpu.memref_squeeze %dma_start3A_303 : memref<1x128xi32, #tpu.memory_space<vmem>> -> memref<128xi32, #tpu.memory_space<vmem>>
        %dma_start3A_305 = arith.constant 0 : i32
        %dma_start3A_306 = tpu.memref_slice %arg2[%add3A_97, %dma_start3A_305] : memref<6400x128xi32, #tpu.memory_space<hbm>> -> memref<1x128xi32, #tpu.memory_space<hbm>>
        %dma_start3A_307 = tpu.memref_squeeze %dma_start3A_306 : memref<1x128xi32, #tpu.memory_space<hbm>> -> memref<128xi32, #tpu.memory_space<hbm>>
        tpu.enqueue_dma source(%dma_start3A_307 : memref<128xi32, #tpu.memory_space<hbm>>) target(%dma_start3A_304 : memref<128xi32, #tpu.memory_space<vmem>>) target_semaphore(%run_scoped3A_295 : memref<!tpu.dma_semaphore, #tpu.memory_space<semaphore_mem>>)
        %dma_wait3A_308 = arith.constant 0 : i32
        %dma_wait3A_309 = tpu.memref_slice %arg5[%run_scoped3A_98, %dma_wait3A_308] : memref<4x128xi32, #tpu.memory_space<vmem>> -> memref<1x128xi32, #tpu.memory_space<vmem>>
        %dma_wait3A_310 = tpu.memref_squeeze %dma_wait3A_309 : memref<1x128xi32, #tpu.memory_space<vmem>> -> memref<128xi32, #tpu.memory_space<vmem>>
        %dma_wait3A_311 = arith.constant 0 : i32
        %dma_wait3A_312 = tpu.memref_slice %arg2[%add3A_97, %dma_wait3A_311] : memref<6400x128xi32, #tpu.memory_space<hbm>> -> memref<1x128xi32, #tpu.memory_space<hbm>>
        %dma_wait3A_313 = tpu.memref_squeeze %dma_wait3A_312 : memref<1x128xi32, #tpu.memory_space<hbm>> -> memref<128xi32, #tpu.memory_space<hbm>>
        %dma_wait3A_314 = arith.constant 0 : i32
        %dma_wait3A_315 = tpu.memref_slice %arg5[%run_scoped3A_98, %dma_wait3A_314] : memref<4x128xi32, #tpu.memory_space<vmem>> -> memref<1x128xi32, #tpu.memory_space<vmem>>
        %dma_wait3A_316 = tpu.memref_squeeze %dma_wait3A_315 : memref<1x128xi32, #tpu.memory_space<vmem>> -> memref<128xi32, #tpu.memory_space<vmem>>
        %dma_wait3A_317 = arith.constant 0 : i32
        %dma_wait3A_318 = tpu.memref_slice %arg2[%add3A_97, %dma_wait3A_317] : memref<6400x128xi32, #tpu.memory_space<hbm>> -> memref<1x128xi32, #tpu.memory_space<hbm>>
        %dma_wait3A_319 = tpu.memref_squeeze %dma_wait3A_318 : memref<1x128xi32, #tpu.memory_space<hbm>> -> memref<128xi32, #tpu.memory_space<hbm>>
        tpu.wait_dma2 semaphore(%run_scoped3A_295 : memref<!tpu.dma_semaphore, #tpu.memory_space<semaphore_mem>>) src(%dma_wait3A_319 : memref<128xi32, #tpu.memory_space<hbm>>) dst(%dma_wait3A_316 : memref<128xi32, #tpu.memory_space<vmem>>)
        tpu.yield
      }) : () -> ()
      %dma_start3A_99 = arith.constant 1 : i32
      %dma_start3A_100 = arith.constant 1 : i32
      %dma_start3A_101 = arith.constant 0 : i32
      %dma_start3A_102 = arith.constant 0 : i32
      %dma_start3A_103 = tpu.memref_slice %arg6[%dma_start3A_100, %dma_start3A_101, %dma_start3A_102] : memref<4x128x128xf32, #tpu.memory_space<vmem>> -> memref<1x128x128xf32, #tpu.memory_space<vmem>>
      %dma_start3A_104 = tpu.memref_squeeze %dma_start3A_103 : memref<1x128x128xf32, #tpu.memory_space<vmem>> -> memref<128x128xf32, #tpu.memory_space<vmem>>
      %dma_start3A_105 = arith.constant 0 : i32
      %dma_start3A_106 = tpu.memref_slice %arg5[%dma_start3A_99, %dma_start3A_105] : memref<4x128xi32, #tpu.memory_space<vmem>> -> memref<1x128xi32, #tpu.memory_space<vmem>>
      %dma_start3A_107 = tpu.memref_squeeze %dma_start3A_106 : memref<1x128xi32, #tpu.memory_space<vmem>> -> memref<128xi32, #tpu.memory_space<vmem>>
      %dma_start3A_108 = arith.constant 0 : i32
      %dma_start3A_109 = arith.constant 0 : i32
      %dma_start3A_110 = tpu.memref_slice %arg3[%dma_start3A_108, %dma_start3A_109] : memref<100000x128xf32, #tpu.memory_space<hbm>> -> memref<100000x128xf32, #tpu.memory_space<hbm>>
      tpu.enqueue_indirect_dma source(%dma_start3A_110 : memref<100000x128xf32, #tpu.memory_space<hbm>>) target(%dma_start3A_104 : memref<128x128xf32, #tpu.memory_space<vmem>>) offsets(%dma_start3A_107 : memref<128xi32, #tpu.memory_space<vmem>>) semaphore(%arg8 : memref<!tpu.dma_semaphore, #tpu.memory_space<semaphore_mem>>)
      %mul3A_111 = arith.constant 4 : i32
      %mul3A_112 = arith.muli %scan3A_59, %mul3A_111 : i32
      %add3A_113 = arith.constant 2 : i32
      %add3A_114 = arith.addi %mul3A_112, %add3A_113 : i32
      %mul3A_115 = arith.constant 128 : i32
      %mul3A_116 = arith.muli %add3A_114, %mul3A_115 : i32
      %add3A_117 = arith.addi %mul3A_2, %mul3A_116 : i32
      %gt3A_118 = arith.constant 0 : i32
      %gt3A_119 = arith.cmpi sgt, %scan3A_59, %gt3A_118 : i32
      %convert_element_type3A_120 = arith.extui %gt3A_119 : i1 to i32
      %cond3A_121 = arith.constant 0 : i32
      %cond3A_122 = arith.cmpi ne, %convert_element_type3A_120, %cond3A_121 : i32
      scf.if %cond3A_122 {
        %dma_wait3A_295 = arith.constant 2 : i32
        %dma_wait3A_296 = arith.constant 0 : i32
        %dma_wait3A_297 = arith.constant 0 : i32
        %dma_wait3A_298 = tpu.memref_slice %arg6[%dma_wait3A_295, %dma_wait3A_296, %dma_wait3A_297] : memref<4x128x128xf32, #tpu.memory_space<vmem>> -> memref<1x128x128xf32, #tpu.memory_space<vmem>>
        %dma_wait3A_299 = tpu.memref_squeeze %dma_wait3A_298 : memref<1x128x128xf32, #tpu.memory_space<vmem>> -> memref<128x128xf32, #tpu.memory_space<vmem>>
        %dma_wait3A_300 = arith.constant 0 : i32
        %dma_wait3A_301 = tpu.memref_slice %arg4[%add3A_117, %dma_wait3A_300] : memref<819200x128xf32, #tpu.memory_space<hbm>> -> memref<128x128xf32, #tpu.memory_space<hbm>>
        %dma_wait3A_302 = arith.constant 0 : i32
        %dma_wait3A_303 = tpu.memref_slice %arg4[%add3A_117, %dma_wait3A_302] : memref<819200x128xf32, #tpu.memory_space<hbm>> -> memref<128x128xf32, #tpu.memory_space<hbm>>
        %dma_wait3A_304 = arith.constant 0 : i32
        %dma_wait3A_305 = arith.constant 0 : i32
        %dma_wait3A_306 = tpu.memref_slice %arg6[%dma_wait3A_295, %dma_wait3A_304, %dma_wait3A_305] : memref<4x128x128xf32, #tpu.memory_space<vmem>> -> memref<1x128x128xf32, #tpu.memory_space<vmem>>
        %dma_wait3A_307 = tpu.memref_squeeze %dma_wait3A_306 : memref<1x128x128xf32, #tpu.memory_space<vmem>> -> memref<128x128xf32, #tpu.memory_space<vmem>>
        tpu.wait_dma2 semaphore(%arg13 : memref<!tpu.dma_semaphore, #tpu.memory_space<semaphore_mem>>) src(%dma_wait3A_307 : memref<128x128xf32, #tpu.memory_space<vmem>>) dst(%dma_wait3A_303 : memref<128x128xf32, #tpu.memory_space<hbm>>)
      } else {
      }
      %mul3A_123 = arith.constant 200 : i32
      %mul3A_124 = arith.muli %add3A, %mul3A_123 : i32
      %add3A_125 = arith.addi %mul3A_124, %add3A_114 : i32
      %run_scoped3A_126 = arith.constant 2 : i32
      "tpu.region"() ({
        %run_scoped3A_295 = tpu.sem_alloc : memref<!tpu.dma_semaphore, #tpu.memory_space<semaphore_mem>>
        %dma_start3A_296 = arith.constant 0 : i32
        %dma_start3A_297 = tpu.memref_slice %arg5[%run_scoped3A_126, %dma_start3A_296] : memref<4x128xi32, #tpu.memory_space<vmem>> -> memref<1x128xi32, #tpu.memory_space<vmem>>
        %dma_start3A_298 = tpu.memref_squeeze %dma_start3A_297 : memref<1x128xi32, #tpu.memory_space<vmem>> -> memref<128xi32, #tpu.memory_space<vmem>>
        %dma_start3A_299 = arith.constant 0 : i32
        %dma_start3A_300 = tpu.memref_slice %arg2[%add3A_125, %dma_start3A_299] : memref<6400x128xi32, #tpu.memory_space<hbm>> -> memref<1x128xi32, #tpu.memory_space<hbm>>
        %dma_start3A_301 = tpu.memref_squeeze %dma_start3A_300 : memref<1x128xi32, #tpu.memory_space<hbm>> -> memref<128xi32, #tpu.memory_space<hbm>>
        %dma_start3A_302 = arith.constant 0 : i32
        %dma_start3A_303 = tpu.memref_slice %arg5[%run_scoped3A_126, %dma_start3A_302] : memref<4x128xi32, #tpu.memory_space<vmem>> -> memref<1x128xi32, #tpu.memory_space<vmem>>
        %dma_start3A_304 = tpu.memref_squeeze %dma_start3A_303 : memref<1x128xi32, #tpu.memory_space<vmem>> -> memref<128xi32, #tpu.memory_space<vmem>>
        %dma_start3A_305 = arith.constant 0 : i32
        %dma_start3A_306 = tpu.memref_slice %arg2[%add3A_125, %dma_start3A_305] : memref<6400x128xi32, #tpu.memory_space<hbm>> -> memref<1x128xi32, #tpu.memory_space<hbm>>
        %dma_start3A_307 = tpu.memref_squeeze %dma_start3A_306 : memref<1x128xi32, #tpu.memory_space<hbm>> -> memref<128xi32, #tpu.memory_space<hbm>>
        tpu.enqueue_dma source(%dma_start3A_307 : memref<128xi32, #tpu.memory_space<hbm>>) target(%dma_start3A_304 : memref<128xi32, #tpu.memory_space<vmem>>) target_semaphore(%run_scoped3A_295 : memref<!tpu.dma_semaphore, #tpu.memory_space<semaphore_mem>>)
        %dma_wait3A_308 = arith.constant 0 : i32
        %dma_wait3A_309 = tpu.memref_slice %arg5[%run_scoped3A_126, %dma_wait3A_308] : memref<4x128xi32, #tpu.memory_space<vmem>> -> memref<1x128xi32, #tpu.memory_space<vmem>>
        %dma_wait3A_310 = tpu.memref_squeeze %dma_wait3A_309 : memref<1x128xi32, #tpu.memory_space<vmem>> -> memref<128xi32, #tpu.memory_space<vmem>>
        %dma_wait3A_311 = arith.constant 0 : i32
        %dma_wait3A_312 = tpu.memref_slice %arg2[%add3A_125, %dma_wait3A_311] : memref<6400x128xi32, #tpu.memory_space<hbm>> -> memref<1x128xi32, #tpu.memory_space<hbm>>
        %dma_wait3A_313 = tpu.memref_squeeze %dma_wait3A_312 : memref<1x128xi32, #tpu.memory_space<hbm>> -> memref<128xi32, #tpu.memory_space<hbm>>
        %dma_wait3A_314 = arith.constant 0 : i32
        %dma_wait3A_315 = tpu.memref_slice %arg5[%run_scoped3A_126, %dma_wait3A_314] : memref<4x128xi32, #tpu.memory_space<vmem>> -> memref<1x128xi32, #tpu.memory_space<vmem>>
        %dma_wait3A_316 = tpu.memref_squeeze %dma_wait3A_315 : memref<1x128xi32, #tpu.memory_space<vmem>> -> memref<128xi32, #tpu.memory_space<vmem>>
        %dma_wait3A_317 = arith.constant 0 : i32
        %dma_wait3A_318 = tpu.memref_slice %arg2[%add3A_125, %dma_wait3A_317] : memref<6400x128xi32, #tpu.memory_space<hbm>> -> memref<1x128xi32, #tpu.memory_space<hbm>>
        %dma_wait3A_319 = tpu.memref_squeeze %dma_wait3A_318 : memref<1x128xi32, #tpu.memory_space<hbm>> -> memref<128xi32, #tpu.memory_space<hbm>>
        tpu.wait_dma2 semaphore(%run_scoped3A_295 : memref<!tpu.dma_semaphore, #tpu.memory_space<semaphore_mem>>) src(%dma_wait3A_319 : memref<128xi32, #tpu.memory_space<hbm>>) dst(%dma_wait3A_316 : memref<128xi32, #tpu.memory_space<vmem>>)
        tpu.yield
      }) : () -> ()
      %dma_start3A_127 = arith.constant 2 : i32
      %dma_start3A_128 = arith.constant 2 : i32
      %dma_start3A_129 = arith.constant 0 : i32
      %dma_start3A_130 = arith.constant 0 : i32
      %dma_start3A_131 = tpu.memref_slice %arg6[%dma_start3A_128, %dma_start3A_129, %dma_start3A_130] : memref<4x128x128xf32, #tpu.memory_space<vmem>> -> memref<1x128x128xf32, #tpu.memory_space<vmem>>
      %dma_start3A_132 = tpu.memref_squeeze %dma_start3A_131 : memref<1x128x128xf32, #tpu.memory_space<vmem>> -> memref<128x128xf32, #tpu.memory_space<vmem>>
      %dma_start3A_133 = arith.constant 0 : i32
      %dma_start3A_134 = tpu.memref_slice %arg5[%dma_start3A_127, %dma_start3A_133] : memref<4x128xi32, #tpu.memory_space<vmem>> -> memref<1x128xi32, #tpu.memory_space<vmem>>
      %dma_start3A_135 = tpu.memref_squeeze %dma_start3A_134 : memref<1x128xi32, #tpu.memory_space<vmem>> -> memref<128xi32, #tpu.memory_space<vmem>>
      %dma_start3A_136 = arith.constant 0 : i32
      %dma_start3A_137 = arith.constant 0 : i32
      %dma_start3A_138 = tpu.memref_slice %arg3[%dma_start3A_136, %dma_start3A_137] : memref<100000x128xf32, #tpu.memory_space<hbm>> -> memref<100000x128xf32, #tpu.memory_space<hbm>>
      tpu.enqueue_indirect_dma source(%dma_start3A_138 : memref<100000x128xf32, #tpu.memory_space<hbm>>) target(%dma_start3A_132 : memref<128x128xf32, #tpu.memory_space<vmem>>) offsets(%dma_start3A_135 : memref<128xi32, #tpu.memory_space<vmem>>) semaphore(%arg9 : memref<!tpu.dma_semaphore, #tpu.memory_space<semaphore_mem>>)
      %mul3A_139 = arith.constant 4 : i32
      %mul3A_140 = arith.muli %scan3A_59, %mul3A_139 : i32
      %add3A_141 = arith.constant 3 : i32
      %add3A_142 = arith.addi %mul3A_140, %add3A_141 : i32
      %mul3A_143 = arith.constant 128 : i32
      %mul3A_144 = arith.muli %add3A_142, %mul3A_143 : i32
      %add3A_145 = arith.addi %mul3A_2, %mul3A_144 : i32
      %gt3A_146 = arith.constant 0 : i32
      %gt3A_147 = arith.cmpi sgt, %scan3A_59, %gt3A_146 : i32
      %convert_element_type3A_148 = arith.extui %gt3A_147 : i1 to i32
      %cond3A_149 = arith.constant 0 : i32
      %cond3A_150 = arith.cmpi ne, %convert_element_type3A_148, %cond3A_149 : i32
      scf.if %cond3A_150 {
        %dma_wait3A_295 = arith.constant 3 : i32
        %dma_wait3A_296 = arith.constant 0 : i32
        %dma_wait3A_297 = arith.constant 0 : i32
        %dma_wait3A_298 = tpu.memref_slice %arg6[%dma_wait3A_295, %dma_wait3A_296, %dma_wait3A_297] : memref<4x128x128xf32, #tpu.memory_space<vmem>> -> memref<1x128x128xf32, #tpu.memory_space<vmem>>
        %dma_wait3A_299 = tpu.memref_squeeze %dma_wait3A_298 : memref<1x128x128xf32, #tpu.memory_space<vmem>> -> memref<128x128xf32, #tpu.memory_space<vmem>>
        %dma_wait3A_300 = arith.constant 0 : i32
        %dma_wait3A_301 = tpu.memref_slice %arg4[%add3A_145, %dma_wait3A_300] : memref<819200x128xf32, #tpu.memory_space<hbm>> -> memref<128x128xf32, #tpu.memory_space<hbm>>
        %dma_wait3A_302 = arith.constant 0 : i32
        %dma_wait3A_303 = tpu.memref_slice %arg4[%add3A_145, %dma_wait3A_302] : memref<819200x128xf32, #tpu.memory_space<hbm>> -> memref<128x128xf32, #tpu.memory_space<hbm>>
        %dma_wait3A_304 = arith.constant 0 : i32
        %dma_wait3A_305 = arith.constant 0 : i32
        %dma_wait3A_306 = tpu.memref_slice %arg6[%dma_wait3A_295, %dma_wait3A_304, %dma_wait3A_305] : memref<4x128x128xf32, #tpu.memory_space<vmem>> -> memref<1x128x128xf32, #tpu.memory_space<vmem>>
        %dma_wait3A_307 = tpu.memref_squeeze %dma_wait3A_306 : memref<1x128x128xf32, #tpu.memory_space<vmem>> -> memref<128x128xf32, #tpu.memory_space<vmem>>
        tpu.wait_dma2 semaphore(%arg14 : memref<!tpu.dma_semaphore, #tpu.memory_space<semaphore_mem>>) src(%dma_wait3A_307 : memref<128x128xf32, #tpu.memory_space<vmem>>) dst(%dma_wait3A_303 : memref<128x128xf32, #tpu.memory_space<hbm>>)
      } else {
      }
      %mul3A_151 = arith.constant 200 : i32
      %mul3A_152 = arith.muli %add3A, %mul3A_151 : i32
      %add3A_153 = arith.addi %mul3A_152, %add3A_142 : i32
      %run_scoped3A_154 = arith.constant 3 : i32
      "tpu.region"() ({
        %run_scoped3A_295 = tpu.sem_alloc : memref<!tpu.dma_semaphore, #tpu.memory_space<semaphore_mem>>
        %dma_start3A_296 = arith.constant 0 : i32
        %dma_start3A_297 = tpu.memref_slice %arg5[%run_scoped3A_154, %dma_start3A_296] : memref<4x128xi32, #tpu.memory_space<vmem>> -> memref<1x128xi32, #tpu.memory_space<vmem>>
        %dma_start3A_298 = tpu.memref_squeeze %dma_start3A_297 : memref<1x128xi32, #tpu.memory_space<vmem>> -> memref<128xi32, #tpu.memory_space<vmem>>
        %dma_start3A_299 = arith.constant 0 : i32
        %dma_start3A_300 = tpu.memref_slice %arg2[%add3A_153, %dma_start3A_299] : memref<6400x128xi32, #tpu.memory_space<hbm>> -> memref<1x128xi32, #tpu.memory_space<hbm>>
        %dma_start3A_301 = tpu.memref_squeeze %dma_start3A_300 : memref<1x128xi32, #tpu.memory_space<hbm>> -> memref<128xi32, #tpu.memory_space<hbm>>
        %dma_start3A_302 = arith.constant 0 : i32
        %dma_start3A_303 = tpu.memref_slice %arg5[%run_scoped3A_154, %dma_start3A_302] : memref<4x128xi32, #tpu.memory_space<vmem>> -> memref<1x128xi32, #tpu.memory_space<vmem>>
        %dma_start3A_304 = tpu.memref_squeeze %dma_start3A_303 : memref<1x128xi32, #tpu.memory_space<vmem>> -> memref<128xi32, #tpu.memory_space<vmem>>
        %dma_start3A_305 = arith.constant 0 : i32
        %dma_start3A_306 = tpu.memref_slice %arg2[%add3A_153, %dma_start3A_305] : memref<6400x128xi32, #tpu.memory_space<hbm>> -> memref<1x128xi32, #tpu.memory_space<hbm>>
        %dma_start3A_307 = tpu.memref_squeeze %dma_start3A_306 : memref<1x128xi32, #tpu.memory_space<hbm>> -> memref<128xi32, #tpu.memory_space<hbm>>
        tpu.enqueue_dma source(%dma_start3A_307 : memref<128xi32, #tpu.memory_space<hbm>>) target(%dma_start3A_304 : memref<128xi32, #tpu.memory_space<vmem>>) target_semaphore(%run_scoped3A_295 : memref<!tpu.dma_semaphore, #tpu.memory_space<semaphore_mem>>)
        %dma_wait3A_308 = arith.constant 0 : i32
        %dma_wait3A_309 = tpu.memref_slice %arg5[%run_scoped3A_154, %dma_wait3A_308] : memref<4x128xi32, #tpu.memory_space<vmem>> -> memref<1x128xi32, #tpu.memory_space<vmem>>
        %dma_wait3A_310 = tpu.memref_squeeze %dma_wait3A_309 : memref<1x128xi32, #tpu.memory_space<vmem>> -> memref<128xi32, #tpu.memory_space<vmem>>
        %dma_wait3A_311 = arith.constant 0 : i32
        %dma_wait3A_312 = tpu.memref_slice %arg2[%add3A_153, %dma_wait3A_311] : memref<6400x128xi32, #tpu.memory_space<hbm>> -> memref<1x128xi32, #tpu.memory_space<hbm>>
        %dma_wait3A_313 = tpu.memref_squeeze %dma_wait3A_312 : memref<1x128xi32, #tpu.memory_space<hbm>> -> memref<128xi32, #tpu.memory_space<hbm>>
        %dma_wait3A_314 = arith.constant 0 : i32
        %dma_wait3A_315 = tpu.memref_slice %arg5[%run_scoped3A_154, %dma_wait3A_314] : memref<4x128xi32, #tpu.memory_space<vmem>> -> memref<1x128xi32, #tpu.memory_space<vmem>>
        %dma_wait3A_316 = tpu.memref_squeeze %dma_wait3A_315 : memref<1x128xi32, #tpu.memory_space<vmem>> -> memref<128xi32, #tpu.memory_space<vmem>>
        %dma_wait3A_317 = arith.constant 0 : i32
        %dma_wait3A_318 = tpu.memref_slice %arg2[%add3A_153, %dma_wait3A_317] : memref<6400x128xi32, #tpu.memory_space<hbm>> -> memref<1x128xi32, #tpu.memory_space<hbm>>
        %dma_wait3A_319 = tpu.memref_squeeze %dma_wait3A_318 : memref<1x128xi32, #tpu.memory_space<hbm>> -> memref<128xi32, #tpu.memory_space<hbm>>
        tpu.wait_dma2 semaphore(%run_scoped3A_295 : memref<!tpu.dma_semaphore, #tpu.memory_space<semaphore_mem>>) src(%dma_wait3A_319 : memref<128xi32, #tpu.memory_space<hbm>>) dst(%dma_wait3A_316 : memref<128xi32, #tpu.memory_space<vmem>>)
        tpu.yield
      }) : () -> ()
      %dma_start3A_155 = arith.constant 3 : i32
      %dma_start3A_156 = arith.constant 3 : i32
      %dma_start3A_157 = arith.constant 0 : i32
      %dma_start3A_158 = arith.constant 0 : i32
      %dma_start3A_159 = tpu.memref_slice %arg6[%dma_start3A_156, %dma_start3A_157, %dma_start3A_158] : memref<4x128x128xf32, #tpu.memory_space<vmem>> -> memref<1x128x128xf32, #tpu.memory_space<vmem>>
      %dma_start3A_160 = tpu.memref_squeeze %dma_start3A_159 : memref<1x128x128xf32, #tpu.memory_space<vmem>> -> memref<128x128xf32, #tpu.memory_space<vmem>>
      %dma_start3A_161 = arith.constant 0 : i32
      %dma_start3A_162 = tpu.memref_slice %arg5[%dma_start3A_155, %dma_start3A_161] : memref<4x128xi32, #tpu.memory_space<vmem>> -> memref<1x128xi32, #tpu.memory_space<vmem>>
      %dma_start3A_163 = tpu.memref_squeeze %dma_start3A_162 : memref<1x128xi32, #tpu.memory_space<vmem>> -> memref<128xi32, #tpu.memory_space<vmem>>
      %dma_start3A_164 = arith.constant 0 : i32
      %dma_start3A_165 = arith.constant 0 : i32
      %dma_start3A_166 = tpu.memref_slice %arg3[%dma_start3A_164, %dma_start3A_165] : memref<100000x128xf32, #tpu.memory_space<hbm>> -> memref<100000x128xf32, #tpu.memory_space<hbm>>
      tpu.enqueue_indirect_dma source(%dma_start3A_166 : memref<100000x128xf32, #tpu.memory_space<hbm>>) target(%dma_start3A_160 : memref<128x128xf32, #tpu.memory_space<vmem>>) offsets(%dma_start3A_163 : memref<128xi32, #tpu.memory_space<vmem>>) semaphore(%arg10 : memref<!tpu.dma_semaphore, #tpu.memory_space<semaphore_mem>>)
      %mul3A_167 = arith.constant 4 : i32
      %mul3A_168 = arith.muli %scan3A_59, %mul3A_167 : i32
      %add3A_169 = arith.constant 0 : i32
      %add3A_170 = arith.addi %mul3A_168, %add3A_169 : i32
      %mul3A_171 = arith.constant 128 : i32
      %mul3A_172 = arith.muli %add3A_170, %mul3A_171 : i32
      %add3A_173 = arith.addi %mul3A_2, %mul3A_172 : i32
      %dma_wait3A_174 = arith.constant 0 : i32
      %dma_wait3A_175 = arith.constant 0 : i32
      %dma_wait3A_176 = arith.constant 0 : i32
      %dma_wait3A_177 = arith.constant 0 : i32
      %dma_wait3A_178 = tpu.memref_slice %arg6[%dma_wait3A_175, %dma_wait3A_176, %dma_wait3A_177] : memref<4x128x128xf32, #tpu.memory_space<vmem>> -> memref<1x128x128xf32, #tpu.memory_space<vmem>>
      %dma_wait3A_179 = tpu.memref_squeeze %dma_wait3A_178 : memref<1x128x128xf32, #tpu.memory_space<vmem>> -> memref<128x128xf32, #tpu.memory_space<vmem>>
      %dma_wait3A_180 = arith.constant 0 : i32
      %dma_wait3A_181 = tpu.memref_slice %arg5[%dma_wait3A_174, %dma_wait3A_180] : memref<4x128xi32, #tpu.memory_space<vmem>> -> memref<1x128xi32, #tpu.memory_space<vmem>>
      %dma_wait3A_182 = tpu.memref_squeeze %dma_wait3A_181 : memref<1x128xi32, #tpu.memory_space<vmem>> -> memref<128xi32, #tpu.memory_space<vmem>>
      %dma_wait3A_183 = arith.constant 0 : i32
      %dma_wait3A_184 = arith.constant 0 : i32
      %dma_wait3A_185 = tpu.memref_slice %arg3[%dma_wait3A_183, %dma_wait3A_184] : memref<100000x128xf32, #tpu.memory_space<hbm>> -> memref<100000x128xf32, #tpu.memory_space<hbm>>
      tpu.wait_indirect_dma semaphore(%arg7 : memref<!tpu.dma_semaphore, #tpu.memory_space<semaphore_mem>>) src(%dma_wait3A_185 : memref<100000x128xf32, #tpu.memory_space<hbm>>) dst(%dma_wait3A_179 : memref<128x128xf32, #tpu.memory_space<vmem>>)
      %dma_start3A_186 = arith.constant 0 : i32
      %dma_start3A_187 = arith.constant 0 : i32
      %dma_start3A_188 = arith.constant 0 : i32
      %dma_start3A_189 = tpu.memref_slice %arg6[%dma_start3A_186, %dma_start3A_187, %dma_start3A_188] : memref<4x128x128xf32, #tpu.memory_space<vmem>> -> memref<1x128x128xf32, #tpu.memory_space<vmem>>
      %dma_start3A_190 = tpu.memref_squeeze %dma_start3A_189 : memref<1x128x128xf32, #tpu.memory_space<vmem>> -> memref<128x128xf32, #tpu.memory_space<vmem>>
      %dma_start3A_191 = arith.constant 0 : i32
      %dma_start3A_192 = tpu.memref_slice %arg4[%add3A_173, %dma_start3A_191] : memref<819200x128xf32, #tpu.memory_space<hbm>> -> memref<128x128xf32, #tpu.memory_space<hbm>>
      %dma_start3A_193 = arith.constant 0 : i32
      %dma_start3A_194 = tpu.memref_slice %arg4[%add3A_173, %dma_start3A_193] : memref<819200x128xf32, #tpu.memory_space<hbm>> -> memref<128x128xf32, #tpu.memory_space<hbm>>
      %dma_start3A_195 = arith.constant 0 : i32
      %dma_start3A_196 = arith.constant 0 : i32
      %dma_start3A_197 = tpu.memref_slice %arg6[%dma_start3A_186, %dma_start3A_195, %dma_start3A_196] : memref<4x128x128xf32, #tpu.memory_space<vmem>> -> memref<1x128x128xf32, #tpu.memory_space<vmem>>
      %dma_start3A_198 = tpu.memref_squeeze %dma_start3A_197 : memref<1x128x128xf32, #tpu.memory_space<vmem>> -> memref<128x128xf32, #tpu.memory_space<vmem>>
      tpu.enqueue_dma source(%dma_start3A_198 : memref<128x128xf32, #tpu.memory_space<vmem>>) target(%dma_start3A_194 : memref<128x128xf32, #tpu.memory_space<hbm>>) target_semaphore(%arg11 : memref<!tpu.dma_semaphore, #tpu.memory_space<semaphore_mem>>)
      %mul3A_199 = arith.constant 4 : i32
      %mul3A_200 = arith.muli %scan3A_59, %mul3A_199 : i32
      %add3A_201 = arith.constant 1 : i32
      %add3A_202 = arith.addi %mul3A_200, %add3A_201 : i32
      %mul3A_203 = arith.constant 128 : i32
      %mul3A_204 = arith.muli %add3A_202, %mul3A_203 : i32
      %add3A_205 = arith.addi %mul3A_2, %mul3A_204 : i32
      %dma_wait3A_206 = arith.constant 1 : i32
      %dma_wait3A_207 = arith.constant 1 : i32
      %dma_wait3A_208 = arith.constant 0 : i32
      %dma_wait3A_209 = arith.constant 0 : i32
      %dma_wait3A_210 = tpu.memref_slice %arg6[%dma_wait3A_207, %dma_wait3A_208, %dma_wait3A_209] : memref<4x128x128xf32, #tpu.memory_space<vmem>> -> memref<1x128x128xf32, #tpu.memory_space<vmem>>
      %dma_wait3A_211 = tpu.memref_squeeze %dma_wait3A_210 : memref<1x128x128xf32, #tpu.memory_space<vmem>> -> memref<128x128xf32, #tpu.memory_space<vmem>>
      %dma_wait3A_212 = arith.constant 0 : i32
      %dma_wait3A_213 = tpu.memref_slice %arg5[%dma_wait3A_206, %dma_wait3A_212] : memref<4x128xi32, #tpu.memory_space<vmem>> -> memref<1x128xi32, #tpu.memory_space<vmem>>
      %dma_wait3A_214 = tpu.memref_squeeze %dma_wait3A_213 : memref<1x128xi32, #tpu.memory_space<vmem>> -> memref<128xi32, #tpu.memory_space<vmem>>
      %dma_wait3A_215 = arith.constant 0 : i32
      %dma_wait3A_216 = arith.constant 0 : i32
      %dma_wait3A_217 = tpu.memref_slice %arg3[%dma_wait3A_215, %dma_wait3A_216] : memref<100000x128xf32, #tpu.memory_space<hbm>> -> memref<100000x128xf32, #tpu.memory_space<hbm>>
      tpu.wait_indirect_dma semaphore(%arg8 : memref<!tpu.dma_semaphore, #tpu.memory_space<semaphore_mem>>) src(%dma_wait3A_217 : memref<100000x128xf32, #tpu.memory_space<hbm>>) dst(%dma_wait3A_211 : memref<128x128xf32, #tpu.memory_space<vmem>>)
      %dma_start3A_218 = arith.constant 1 : i32
      %dma_start3A_219 = arith.constant 0 : i32
      %dma_start3A_220 = arith.constant 0 : i32
      %dma_start3A_221 = tpu.memref_slice %arg6[%dma_start3A_218, %dma_start3A_219, %dma_start3A_220] : memref<4x128x128xf32, #tpu.memory_space<vmem>> -> memref<1x128x128xf32, #tpu.memory_space<vmem>>
      %dma_start3A_222 = tpu.memref_squeeze %dma_start3A_221 : memref<1x128x128xf32, #tpu.memory_space<vmem>> -> memref<128x128xf32, #tpu.memory_space<vmem>>
      %dma_start3A_223 = arith.constant 0 : i32
      %dma_start3A_224 = tpu.memref_slice %arg4[%add3A_205, %dma_start3A_223] : memref<819200x128xf32, #tpu.memory_space<hbm>> -> memref<128x128xf32, #tpu.memory_space<hbm>>
      %dma_start3A_225 = arith.constant 0 : i32
      %dma_start3A_226 = tpu.memref_slice %arg4[%add3A_205, %dma_start3A_225] : memref<819200x128xf32, #tpu.memory_space<hbm>> -> memref<128x128xf32, #tpu.memory_space<hbm>>
      %dma_start3A_227 = arith.constant 0 : i32
      %dma_start3A_228 = arith.constant 0 : i32
      %dma_start3A_229 = tpu.memref_slice %arg6[%dma_start3A_218, %dma_start3A_227, %dma_start3A_228] : memref<4x128x128xf32, #tpu.memory_space<vmem>> -> memref<1x128x128xf32, #tpu.memory_space<vmem>>
      %dma_start3A_230 = tpu.memref_squeeze %dma_start3A_229 : memref<1x128x128xf32, #tpu.memory_space<vmem>> -> memref<128x128xf32, #tpu.memory_space<vmem>>
      tpu.enqueue_dma source(%dma_start3A_230 : memref<128x128xf32, #tpu.memory_space<vmem>>) target(%dma_start3A_226 : memref<128x128xf32, #tpu.memory_space<hbm>>) target_semaphore(%arg12 : memref<!tpu.dma_semaphore, #tpu.memory_space<semaphore_mem>>)
      %mul3A_231 = arith.constant 4 : i32
      %mul3A_232 = arith.muli %scan3A_59, %mul3A_231 : i32
      %add3A_233 = arith.constant 2 : i32
      %add3A_234 = arith.addi %mul3A_232, %add3A_233 : i32
      %mul3A_235 = arith.constant 128 : i32
      %mul3A_236 = arith.muli %add3A_234, %mul3A_235 : i32
      %add3A_237 = arith.addi %mul3A_2, %mul3A_236 : i32
      %dma_wait3A_238 = arith.constant 2 : i32
      %dma_wait3A_239 = arith.constant 2 : i32
      %dma_wait3A_240 = arith.constant 0 : i32
      %dma_wait3A_241 = arith.constant 0 : i32
      %dma_wait3A_242 = tpu.memref_slice %arg6[%dma_wait3A_239, %dma_wait3A_240, %dma_wait3A_241] : memref<4x128x128xf32, #tpu.memory_space<vmem>> -> memref<1x128x128xf32, #tpu.memory_space<vmem>>
      %dma_wait3A_243 = tpu.memref_squeeze %dma_wait3A_242 : memref<1x128x128xf32, #tpu.memory_space<vmem>> -> memref<128x128xf32, #tpu.memory_space<vmem>>
      %dma_wait3A_244 = arith.constant 0 : i32
      %dma_wait3A_245 = tpu.memref_slice %arg5[%dma_wait3A_238, %dma_wait3A_244] : memref<4x128xi32, #tpu.memory_space<vmem>> -> memref<1x128xi32, #tpu.memory_space<vmem>>
      %dma_wait3A_246 = tpu.memref_squeeze %dma_wait3A_245 : memref<1x128xi32, #tpu.memory_space<vmem>> -> memref<128xi32, #tpu.memory_space<vmem>>
      %dma_wait3A_247 = arith.constant 0 : i32
      %dma_wait3A_248 = arith.constant 0 : i32
      %dma_wait3A_249 = tpu.memref_slice %arg3[%dma_wait3A_247, %dma_wait3A_248] : memref<100000x128xf32, #tpu.memory_space<hbm>> -> memref<100000x128xf32, #tpu.memory_space<hbm>>
      tpu.wait_indirect_dma semaphore(%arg9 : memref<!tpu.dma_semaphore, #tpu.memory_space<semaphore_mem>>) src(%dma_wait3A_249 : memref<100000x128xf32, #tpu.memory_space<hbm>>) dst(%dma_wait3A_243 : memref<128x128xf32, #tpu.memory_space<vmem>>)
      %dma_start3A_250 = arith.constant 2 : i32
      %dma_start3A_251 = arith.constant 0 : i32
      %dma_start3A_252 = arith.constant 0 : i32
      %dma_start3A_253 = tpu.memref_slice %arg6[%dma_start3A_250, %dma_start3A_251, %dma_start3A_252] : memref<4x128x128xf32, #tpu.memory_space<vmem>> -> memref<1x128x128xf32, #tpu.memory_space<vmem>>
      %dma_start3A_254 = tpu.memref_squeeze %dma_start3A_253 : memref<1x128x128xf32, #tpu.memory_space<vmem>> -> memref<128x128xf32, #tpu.memory_space<vmem>>
      %dma_start3A_255 = arith.constant 0 : i32
      %dma_start3A_256 = tpu.memref_slice %arg4[%add3A_237, %dma_start3A_255] : memref<819200x128xf32, #tpu.memory_space<hbm>> -> memref<128x128xf32, #tpu.memory_space<hbm>>
      %dma_start3A_257 = arith.constant 0 : i32
      %dma_start3A_258 = tpu.memref_slice %arg4[%add3A_237, %dma_start3A_257] : memref<819200x128xf32, #tpu.memory_space<hbm>> -> memref<128x128xf32, #tpu.memory_space<hbm>>
      %dma_start3A_259 = arith.constant 0 : i32
      %dma_start3A_260 = arith.constant 0 : i32
      %dma_start3A_261 = tpu.memref_slice %arg6[%dma_start3A_250, %dma_start3A_259, %dma_start3A_260] : memref<4x128x128xf32, #tpu.memory_space<vmem>> -> memref<1x128x128xf32, #tpu.memory_space<vmem>>
      %dma_start3A_262 = tpu.memref_squeeze %dma_start3A_261 : memref<1x128x128xf32, #tpu.memory_space<vmem>> -> memref<128x128xf32, #tpu.memory_space<vmem>>
      tpu.enqueue_dma source(%dma_start3A_262 : memref<128x128xf32, #tpu.memory_space<vmem>>) target(%dma_start3A_258 : memref<128x128xf32, #tpu.memory_space<hbm>>) target_semaphore(%arg13 : memref<!tpu.dma_semaphore, #tpu.memory_space<semaphore_mem>>)
      %mul3A_263 = arith.constant 4 : i32
      %mul3A_264 = arith.muli %scan3A_59, %mul3A_263 : i32
      %add3A_265 = arith.constant 3 : i32
      %add3A_266 = arith.addi %mul3A_264, %add3A_265 : i32
      %mul3A_267 = arith.constant 128 : i32
      %mul3A_268 = arith.muli %add3A_266, %mul3A_267 : i32
      %add3A_269 = arith.addi %mul3A_2, %mul3A_268 : i32
      %dma_wait3A_270 = arith.constant 3 : i32
      %dma_wait3A_271 = arith.constant 3 : i32
      %dma_wait3A_272 = arith.constant 0 : i32
      %dma_wait3A_273 = arith.constant 0 : i32
      %dma_wait3A_274 = tpu.memref_slice %arg6[%dma_wait3A_271, %dma_wait3A_272, %dma_wait3A_273] : memref<4x128x128xf32, #tpu.memory_space<vmem>> -> memref<1x128x128xf32, #tpu.memory_space<vmem>>
      %dma_wait3A_275 = tpu.memref_squeeze %dma_wait3A_274 : memref<1x128x128xf32, #tpu.memory_space<vmem>> -> memref<128x128xf32, #tpu.memory_space<vmem>>
      %dma_wait3A_276 = arith.constant 0 : i32
      %dma_wait3A_277 = tpu.memref_slice %arg5[%dma_wait3A_270, %dma_wait3A_276] : memref<4x128xi32, #tpu.memory_space<vmem>> -> memref<1x128xi32, #tpu.memory_space<vmem>>
      %dma_wait3A_278 = tpu.memref_squeeze %dma_wait3A_277 : memref<1x128xi32, #tpu.memory_space<vmem>> -> memref<128xi32, #tpu.memory_space<vmem>>
      %dma_wait3A_279 = arith.constant 0 : i32
      %dma_wait3A_280 = arith.constant 0 : i32
      %dma_wait3A_281 = tpu.memref_slice %arg3[%dma_wait3A_279, %dma_wait3A_280] : memref<100000x128xf32, #tpu.memory_space<hbm>> -> memref<100000x128xf32, #tpu.memory_space<hbm>>
      tpu.wait_indirect_dma semaphore(%arg10 : memref<!tpu.dma_semaphore, #tpu.memory_space<semaphore_mem>>) src(%dma_wait3A_281 : memref<100000x128xf32, #tpu.memory_space<hbm>>) dst(%dma_wait3A_275 : memref<128x128xf32, #tpu.memory_space<vmem>>)
      %dma_start3A_282 = arith.constant 3 : i32
      %dma_start3A_283 = arith.constant 0 : i32
      %dma_start3A_284 = arith.constant 0 : i32
      %dma_start3A_285 = tpu.memref_slice %arg6[%dma_start3A_282, %dma_start3A_283, %dma_start3A_284] : memref<4x128x128xf32, #tpu.memory_space<vmem>> -> memref<1x128x128xf32, #tpu.memory_space<vmem>>
      %dma_start3A_286 = tpu.memref_squeeze %dma_start3A_285 : memref<1x128x128xf32, #tpu.memory_space<vmem>> -> memref<128x128xf32, #tpu.memory_space<vmem>>
      %dma_start3A_287 = arith.constant 0 : i32
      %dma_start3A_288 = tpu.memref_slice %arg4[%add3A_269, %dma_start3A_287] : memref<819200x128xf32, #tpu.memory_space<hbm>> -> memref<128x128xf32, #tpu.memory_space<hbm>>
      %dma_start3A_289 = arith.constant 0 : i32
      %dma_start3A_290 = tpu.memref_slice %arg4[%add3A_269, %dma_start3A_289] : memref<819200x128xf32, #tpu.memory_space<hbm>> -> memref<128x128xf32, #tpu.memory_space<hbm>>
      %dma_start3A_291 = arith.constant 0 : i32
      %dma_start3A_292 = arith.constant 0 : i32
      %dma_start3A_293 = tpu.memref_slice %arg6[%dma_start3A_282, %dma_start3A_291, %dma_start3A_292] : memref<4x128x128xf32, #tpu.memory_space<vmem>> -> memref<1x128x128xf32, #tpu.memory_space<vmem>>
      %dma_start3A_294 = tpu.memref_squeeze %dma_start3A_293 : memref<1x128x128xf32, #tpu.memory_space<vmem>> -> memref<128x128xf32, #tpu.memory_space<vmem>>
      tpu.enqueue_dma source(%dma_start3A_294 : memref<128x128xf32, #tpu.memory_space<vmem>>) target(%dma_start3A_290 : memref<128x128xf32, #tpu.memory_space<hbm>>) target_semaphore(%arg14 : memref<!tpu.dma_semaphore, #tpu.memory_space<semaphore_mem>>)
    }
    %scan3A_7 = arith.constant 50 : i32
    %dma_wait3A = arith.constant 0 : i32
    %dma_wait3A_8 = arith.constant 0 : i32
    %dma_wait3A_9 = arith.constant 0 : i32
    %dma_wait3A_10 = tpu.memref_slice %arg6[%dma_wait3A, %dma_wait3A_8, %dma_wait3A_9] : memref<4x128x128xf32, #tpu.memory_space<vmem>> -> memref<1x128x128xf32, #tpu.memory_space<vmem>>
    %dma_wait3A_11 = tpu.memref_squeeze %dma_wait3A_10 : memref<1x128x128xf32, #tpu.memory_space<vmem>> -> memref<128x128xf32, #tpu.memory_space<vmem>>
    %dma_wait3A_12 = arith.constant 0 : i32
    %dma_wait3A_13 = tpu.memref_slice %arg4[%mul3A_2, %dma_wait3A_12] : memref<819200x128xf32, #tpu.memory_space<hbm>> -> memref<128x128xf32, #tpu.memory_space<hbm>>
    %dma_wait3A_14 = arith.constant 0 : i32
    %dma_wait3A_15 = tpu.memref_slice %arg4[%mul3A_2, %dma_wait3A_14] : memref<819200x128xf32, #tpu.memory_space<hbm>> -> memref<128x128xf32, #tpu.memory_space<hbm>>
    %dma_wait3A_16 = arith.constant 0 : i32
    %dma_wait3A_17 = arith.constant 0 : i32
    %dma_wait3A_18 = tpu.memref_slice %arg6[%dma_wait3A, %dma_wait3A_16, %dma_wait3A_17] : memref<4x128x128xf32, #tpu.memory_space<vmem>> -> memref<1x128x128xf32, #tpu.memory_space<vmem>>
    %dma_wait3A_19 = tpu.memref_squeeze %dma_wait3A_18 : memref<1x128x128xf32, #tpu.memory_space<vmem>> -> memref<128x128xf32, #tpu.memory_space<vmem>>
    tpu.wait_dma2 semaphore(%arg11 : memref<!tpu.dma_semaphore, #tpu.memory_space<semaphore_mem>>) src(%dma_wait3A_19 : memref<128x128xf32, #tpu.memory_space<vmem>>) dst(%dma_wait3A_15 : memref<128x128xf32, #tpu.memory_space<hbm>>)
    %dma_wait3A_20 = arith.constant 1 : i32
    %dma_wait3A_21 = arith.constant 0 : i32
    %dma_wait3A_22 = arith.constant 0 : i32
    %dma_wait3A_23 = tpu.memref_slice %arg6[%dma_wait3A_20, %dma_wait3A_21, %dma_wait3A_22] : memref<4x128x128xf32, #tpu.memory_space<vmem>> -> memref<1x128x128xf32, #tpu.memory_space<vmem>>
    %dma_wait3A_24 = tpu.memref_squeeze %dma_wait3A_23 : memref<1x128x128xf32, #tpu.memory_space<vmem>> -> memref<128x128xf32, #tpu.memory_space<vmem>>
    %dma_wait3A_25 = arith.constant 0 : i32
    %dma_wait3A_26 = tpu.memref_slice %arg4[%mul3A_2, %dma_wait3A_25] : memref<819200x128xf32, #tpu.memory_space<hbm>> -> memref<128x128xf32, #tpu.memory_space<hbm>>
    %dma_wait3A_27 = arith.constant 0 : i32
    %dma_wait3A_28 = tpu.memref_slice %arg4[%mul3A_2, %dma_wait3A_27] : memref<819200x128xf32, #tpu.memory_space<hbm>> -> memref<128x128xf32, #tpu.memory_space<hbm>>
    %dma_wait3A_29 = arith.constant 0 : i32
    %dma_wait3A_30 = arith.constant 0 : i32
    %dma_wait3A_31 = tpu.memref_slice %arg6[%dma_wait3A_20, %dma_wait3A_29, %dma_wait3A_30] : memref<4x128x128xf32, #tpu.memory_space<vmem>> -> memref<1x128x128xf32, #tpu.memory_space<vmem>>
    %dma_wait3A_32 = tpu.memref_squeeze %dma_wait3A_31 : memref<1x128x128xf32, #tpu.memory_space<vmem>> -> memref<128x128xf32, #tpu.memory_space<vmem>>
    tpu.wait_dma2 semaphore(%arg12 : memref<!tpu.dma_semaphore, #tpu.memory_space<semaphore_mem>>) src(%dma_wait3A_32 : memref<128x128xf32, #tpu.memory_space<vmem>>) dst(%dma_wait3A_28 : memref<128x128xf32, #tpu.memory_space<hbm>>)
    %dma_wait3A_33 = arith.constant 2 : i32
    %dma_wait3A_34 = arith.constant 0 : i32
    %dma_wait3A_35 = arith.constant 0 : i32
    %dma_wait3A_36 = tpu.memref_slice %arg6[%dma_wait3A_33, %dma_wait3A_34, %dma_wait3A_35] : memref<4x128x128xf32, #tpu.memory_space<vmem>> -> memref<1x128x128xf32, #tpu.memory_space<vmem>>
    %dma_wait3A_37 = tpu.memref_squeeze %dma_wait3A_36 : memref<1x128x128xf32, #tpu.memory_space<vmem>> -> memref<128x128xf32, #tpu.memory_space<vmem>>
    %dma_wait3A_38 = arith.constant 0 : i32
    %dma_wait3A_39 = tpu.memref_slice %arg4[%mul3A_2, %dma_wait3A_38] : memref<819200x128xf32, #tpu.memory_space<hbm>> -> memref<128x128xf32, #tpu.memory_space<hbm>>
    %dma_wait3A_40 = arith.constant 0 : i32
    %dma_wait3A_41 = tpu.memref_slice %arg4[%mul3A_2, %dma_wait3A_40] : memref<819200x128xf32, #tpu.memory_space<hbm>> -> memref<128x128xf32, #tpu.memory_space<hbm>>
    %dma_wait3A_42 = arith.constant 0 : i32
    %dma_wait3A_43 = arith.constant 0 : i32
    %dma_wait3A_44 = tpu.memref_slice %arg6[%dma_wait3A_33, %dma_wait3A_42, %dma_wait3A_43] : memref<4x128x128xf32, #tpu.memory_space<vmem>> -> memref<1x128x128xf32, #tpu.memory_space<vmem>>
    %dma_wait3A_45 = tpu.memref_squeeze %dma_wait3A_44 : memref<1x128x128xf32, #tpu.memory_space<vmem>> -> memref<128x128xf32, #tpu.memory_space<vmem>>
    tpu.wait_dma2 semaphore(%arg13 : memref<!tpu.dma_semaphore, #tpu.memory_space<semaphore_mem>>) src(%dma_wait3A_45 : memref<128x128xf32, #tpu.memory_space<vmem>>) dst(%dma_wait3A_41 : memref<128x128xf32, #tpu.memory_space<hbm>>)
    %dma_wait3A_46 = arith.constant 3 : i32
    %dma_wait3A_47 = arith.constant 0 : i32
    %dma_wait3A_48 = arith.constant 0 : i32
    %dma_wait3A_49 = tpu.memref_slice %arg6[%dma_wait3A_46, %dma_wait3A_47, %dma_wait3A_48] : memref<4x128x128xf32, #tpu.memory_space<vmem>> -> memref<1x128x128xf32, #tpu.memory_space<vmem>>
    %dma_wait3A_50 = tpu.memref_squeeze %dma_wait3A_49 : memref<1x128x128xf32, #tpu.memory_space<vmem>> -> memref<128x128xf32, #tpu.memory_space<vmem>>
    %dma_wait3A_51 = arith.constant 0 : i32
    %dma_wait3A_52 = tpu.memref_slice %arg4[%mul3A_2, %dma_wait3A_51] : memref<819200x128xf32, #tpu.memory_space<hbm>> -> memref<128x128xf32, #tpu.memory_space<hbm>>
    %dma_wait3A_53 = arith.constant 0 : i32
    %dma_wait3A_54 = tpu.memref_slice %arg4[%mul3A_2, %dma_wait3A_53] : memref<819200x128xf32, #tpu.memory_space<hbm>> -> memref<128x128xf32, #tpu.memory_space<hbm>>
    %dma_wait3A_55 = arith.constant 0 : i32
    %dma_wait3A_56 = arith.constant 0 : i32
    %dma_wait3A_57 = tpu.memref_slice %arg6[%dma_wait3A_46, %dma_wait3A_55, %dma_wait3A_56] : memref<4x128x128xf32, #tpu.memory_space<vmem>> -> memref<1x128x128xf32, #tpu.memory_space<vmem>>
    %dma_wait3A_58 = tpu.memref_squeeze %dma_wait3A_57 : memref<1x128x128xf32, #tpu.memory_space<vmem>> -> memref<128x128xf32, #tpu.memory_space<vmem>>
    tpu.wait_dma2 semaphore(%arg14 : memref<!tpu.dma_semaphore, #tpu.memory_space<semaphore_mem>>) src(%dma_wait3A_58 : memref<128x128xf32, #tpu.memory_space<vmem>>) dst(%dma_wait3A_54 : memref<128x128xf32, #tpu.memory_space<hbm>>)
    return
  }
}

</mosaic_0001>

<sc_bundles>
// kernel: _emb.3.cloned.1.call-start
scs
__scs_entry_jumppad:
0x0: {  	(pc) =	sbr.rel $0x88, $3  }
0x1: {  	(tag) =	ssettag $0x0;
	lr =	simm.s32 $0x1  }
0x2: {  	[smem:$0x3F9F] =	sst lr;
	_ =	strace $0xD0000000  }
0x3: {  	_ = 	snop  }
0x4: {  	_ = 	snop  }
0x5: {  	_ = 	snop  }
0x6: {  	_ = 	snop  }
0x7: {  	_ = 	snop  }
__scs_overlays_trampoline_lowered:
0x8: {  	[smem:$0x3FAE] =	sst s0  }
0x9: {  	[smem:$0x3FAF] =	sst s1  }
0xa: {  	[smem:$0x3FB0] =	sst s2  }
0xb: {  	[smem:$0x3FB1] =	sst s3  }
0xc: {  	[smem:$0x3FB2] =	sst s4  }
0xd: {  	[smem:$0x3FB3] =	sst s5  }
0xe: {  	[smem:$0x3FB4] =	sst s6  }
0xf: {  	[smem:$0x3FB5] =	sst s7  }
0x10: {  	[smem:$0x3FB6] =	sst s8  }
0x11: {  	[smem:$0x3FB7] =	sst s9;
	s0 =	simm.s32 @!p0 $0x0  }
0x12: {  	s1 =	sld [smem:$0x3F9D];
	s0 =	simm.s32 @p0 $0x1  }
0x13: {  	[smem:$0x3FB8] =	sst s0;
	s0 =	simm.s32 @!p1 $0x0  }
0x14: {  	s2 =	sld [smem:$0x3F9C];
	s0 =	simm.s32 @p1 $0x1  }
0x15: {  	[smem:$0x3FB9] =	sst s0;
	s0 =	simm.s32 @!p2 $0x0  }
0x16: {  	s3 =	sld [smem:$0x3FDB];
	s0 =	simm.s32 @p2 $0x1  }
0x17: {  	s4 =	simm.s32 $0x1BF5;
	[smem:$0x3FBB] =	sst s0  }
0x18: {  	s0 =	sld [smem:$0x3F9E];
	_ =	swait.ge [sflag:s4], $0x0  }
0x19: {  	s7 =	sld [smem:$0x3F9F]  }
0x1a: {  	s8 =	sadd.s32 $0xFFFFE003, lr  }
0x1b: {  	s9 =	sadd.s32 $0xFFFFFEF7, lr;
	s5 =	simm.s32 $0xFFFFFFFF;
	p2 =	slt.u32 s8, $0xFFFFF086  }
0x1c: {  	p1 =	slt.u32 s9, $0xF7A;
	s5 =	simm.s32 @!p2 $0x0  }
0x1d: {  	s5 =	simm.s32 @p1 $0x1;
	p0 =	seq.s32 s7, s2  }
0x1e: {  	s7 =	smul.u32 @!p0 $0xF7A, s2;
	p2 =	seq.s32 @!p0 s5, $0x0  }
0x1f: {  	s9 =	smul.u32 $0xF7A, s1;
	s8 =	simm.s32 @!p0 $0x1BF5;
	p2 =	por !p2, p0  }
0x20: {  	[sflag:s8] =	ssyncset.s32 @!p0 $0xFFFFF086;
	s6 =	sadd.s32 @!p0 s3, s7;
	s7 =	simm.s32 @!p0 $0x108  }
0x21: {  	s3 =	sadd.s32 s3, s9;
	s6 =	sadd.s32 @!p0 $0x88, s6;
	s7 =	simm.s32 @p2 $0x1082  }
0x22: {  	[simem:s7], [sflag:s8] =	dma.local @!p0 [hbm:s6], $0xF7A  }
0x23: {  	s9 =	sor.u32 $0xD0000000, s2;
	s6 =	simm.s32 $0x108;
	_ =	swait.ge @!p0 [sflag:s8], $0x0  }
0x24: {  	s3 =	sadd.s32 $0x88, s3;
	s6 =	simm.s32 @!p1 $0x1082;
	[sflag:s4] =	ssyncset.s32 $0xFFFFF086  }
0x25: {  	[simem:s6], [sflag:s4] =	dma.local [hbm:s3], $0xF7A  }
0x26: {  	[smem:$0x3F9F] =	sst s1;
	(tag) =	ssettag s2;
	_ =	strace s9  }
0x27: {  	s1 =	sld [smem:$0x3FAF]  }
0x28: {  	s2 =	sld [smem:$0x3FB0]  }
0x29: {  	s4 =	sld [smem:$0x3FB2]  }
0x2a: {  	p0 =	seq.s32 s5, $0x0;
	s5 =	sld [smem:$0x3FB3]  }
0x2b: {  	s6 =	sld [smem:$0x3FB4]  }
0x2c: {  	s7 =	sld [smem:$0x3FB5]  }
0x2d: {  	s3 =	simm.s32 $0x108;
	s8 =	sld [smem:$0x3FB6]  }
0x2e: {  	s3 =	simm.s32 @!p0 $0x1082;
	s9 =	sld [smem:$0x3FB7]  }
0x2f: {  	lr =	sadd.s32 s0, s3;
	s0 =	sld [smem:$0x3FAE]  }
0x30: {  	s3 =	sld [smem:$0x3FB1]  }
0x31: {  	[smem:$0x3FBA] =	sst s10  }
0x32: {  	s10 =	sld [smem:$0x3FB8];
	_ =	sdelay $0x3  }
0x33: {  	p0 =	seq.s32 s10, $0x1;
	s10 =	sld [smem:$0x3FBA];
	_ =	sdelay $0x3  }
0x34: {  	[smem:$0x3FBA] =	sst s10  }
0x35: {  	s10 =	sld [smem:$0x3FB9];
	_ =	sdelay $0x3  }
0x36: {  	p1 =	seq.s32 s10, $0x1;
	s10 =	sld [smem:$0x3FBA];
	_ =	sdelay $0x3  }
0x37: {  	[smem:$0x3FBA] =	sst s10  }
0x38: {  	s10 =	sld [smem:$0x3FBB]  }
0x39: {  	_ = 	snop;
	(pc) =	sbr.ind lr, $3  }
0x3a: {  	_ = 	snop  }
0x3b: {  	_ = 	snop  }
0x3c: {  	p2 =	seq.s32 s10, $0x1;
	s10 =	sld [smem:$0x3FBA]  }
0x3d: {  	_ =	shalt  }
0x3e: {  	_ =	shalt  }
0x3f: {  	_ =	shalt  }
0x40: {  	_ =	shalt  }
0x41: {  	_ =	shalt  }
0x42: {  	_ =	shalt  }
0x43: {  	_ =	shalt  }
0x44: {  	_ =	shalt  }
0x45: {  	_ =	shalt  }
0x46: {  	_ =	shalt  }
0x47: {  	_ =	shalt  }
0x48: {  	_ =	shalt  }
0x49: {  	_ =	shalt  }
0x4a: {  	_ =	shalt  }
0x4b: {  	_ =	shalt  }
0x4c: {  	_ =	shalt  }
0x4d: {  	_ =	shalt  }
0x4e: {  	_ =	shalt  }
0x4f: {  	_ =	shalt  }
0x50: {  	_ =	shalt  }
0x51: {  	_ =	shalt  }
0x52: {  	_ =	shalt  }
0x53: {  	_ =	shalt  }
0x54: {  	_ =	shalt  }
0x55: {  	_ =	shalt  }
0x56: {  	_ =	shalt  }
0x57: {  	_ =	shalt  }
0x58: {  	_ =	shalt  }
0x59: {  	_ =	shalt  }
0x5a: {  	_ =	shalt  }
0x5b: {  	_ =	shalt  }
0x5c: {  	_ =	shalt  }
0x5d: {  	_ =	shalt  }
0x5e: {  	_ =	shalt  }
0x5f: {  	_ =	shalt  }
0x60: {  	_ =	shalt  }
0x61: {  	_ =	shalt  }
0x62: {  	_ =	shalt  }
0x63: {  	_ =	shalt  }
0x64: {  	_ =	shalt  }
0x65: {  	_ =	shalt  }
0x66: {  	_ =	shalt  }
0x67: {  	_ =	shalt  }
0x68: {  	_ =	shalt  }
0x69: {  	_ =	shalt  }
0x6a: {  	_ =	shalt  }
0x6b: {  	_ =	shalt  }
0x6c: {  	_ =	shalt  }
0x6d: {  	_ =	shalt  }
0x6e: {  	_ =	shalt  }
0x6f: {  	_ =	shalt  }
0x70: {  	_ =	shalt  }
0x71: {  	_ =	shalt  }
0x72: {  	_ =	shalt  }
0x73: {  	_ =	shalt  }
0x74: {  	_ =	shalt  }
0x75: {  	_ =	shalt  }
0x76: {  	_ =	shalt  }
0x77: {  	_ =	shalt  }
0x78: {  	_ =	shalt  }
0x79: {  	_ =	shalt  }
0x7a: {  	_ =	shalt  }
0x7b: {  	_ =	shalt  }
0x7c: {  	_ =	shalt  }
0x7d: {  	_ =	shalt  }
0x7e: {  	_ =	shalt  }
0x7f: {  	_ =	shalt  }
0x80: {  	_ =	shalt  }
0x81: {  	_ =	shalt  }
0x82: {  	_ =	shalt  }
0x83: {  	_ =	shalt  }
0x84: {  	_ =	shalt  }
0x85: {  	_ =	shalt  }
0x86: {  	_ =	shalt  }
0x87: {  	_ =	shalt  }
.Lfunc_end0:
.L_simem_size_0:
called_computation_lowered:
.L_overlay_start_0:
0x88: {  	s2 =	sld [smem:$0x3FD9]  }
0x89: {  	s3 =	sld [smem:$0x3FFE];
	_ =	sdelay $0x1  }
0x8a: {  	s1 =	srdreg.scid  }
0x8b: {  	s0 =	sand.u32 $0x1, s1  }
0x8c: {  	s18 =	sshll.u32 s0, $0xA;
	s2 =	sadd.s32 s3, s2  }
0x8d: {  	s2 =	sadd.s32 s2, s18  }
0x8e: {  	[smem:$0x3FC6] =	sst s2  }
0x8f: {  	_ = 	snop  }
0x90: {  	s2 =	sld [smem:$0x3FC9]  }
0x91: {  	s19 =	sld [smem:$0x3FC8]  }
0x92: {  	s4 =	sld [smem:$0x3FD0];
	(tm) =	ssettm $0x1  }
0x93: {  	s5 =	sld [smem:$0x3FFB];
	_ =	sdelay $0x3  }
0x94: {  	_ =	strace s5  }
0x95: {  	s5 =	sld [smem:$0x3FFC];
	_ =	sdelay $0x3  }
0x96: {  	_ =	strace s5  }
0x97: {  	s5 =	sld [smem:$0x3FFD];
	_ =	sdelay $0x3  }
0x98: {  	_ =	strace s5  }
0x99: {  	_ =	strace $0x8FFFFFFF  }
0x9a: {  	s20 =	sld [smem:$0x3FDB];
	_ =	sdelay $0x1  }
0x9b: {  	s6 =	simm.s32 $_scs_section_size  }
0x9c: {  	s7 =	simm.s32 $_size__tile_overlayer_lowered;
	s8 =	simm.s32 $_tile_overlayer_lowered  }
0x9d: {  	s23 =	simm.s32 $0x1BFF;
	s22 =	sshll.u32 s8, $0x1;
	s5 =	sadd.s32 s6, s20  }
0x9e: {  	s9 =	simm.s32 $0x0;
	s21 =	sshll.u32 s7, $0x1;
	s7 =	sadd.s32 s22, s5  }
0x9f: {  	[timem:s9], [sflag:s23] =	dma.local [hbm:s7], s21  }
0xa0: {  	_ =	swait.ge [sflag:s23], s21  }
0xa1: {  	s6 =	ssub.s32 $0x0, s21;
	[sflag:s23] =	ssyncset.done $0x0  }
0xa2: {  	[sflag:s23] =	ssyncadd.s32 s6;
	_ =	sdelay $0x1  }
0xa3: {  	s24 =	simm.s32 $0x1B8B  }
0xa4: {  	_ =	swait.ge [sflag:s24], $0x1  }
0xa5: {  	[sflag:s24] =	ssyncset.done $0x0  }
0xa6: {  	s25 =	simm.s32 $0x1B8E;
	[sflag:s24] =	ssyncadd.s32 $0xFFFFFFFF  }
0xa7: {  	s26 =	simm.s32 $execute0_lowered;
	[smem:$0x3FD2] =	sst s25  }
0xa8: {  	s6 =	sshll.u32 s26, $0x1;
	_ =	strace $0x80000046;
	[dreg:$0x1] =	wrdreg $0xFFFFFFFF  }
0xa9: {  	s28 =	simm.s32 $_size_execute0_lowered;
	s5 =	sadd.s32 s5, s6;
	[dreg:$0x0] =	wrdreg $0x0  }
0xaa: {  	s6 =	sshll.u32 s28, $0x1;
	[dreg:$0x2] =	wrdreg s5  }
0xab: {  	[dreg:$0x3] =	wrdreg s6  }
0xac: {  	[dreg:$0x4] =	wrdreg $0xC0  }
0xad: {  	_ =	task [dreg:s9], $0x5FFFF  }
0xae: {  	[dreg:$0x1] =	wrdreg $0xFFFFFFFF  }
0xaf: {  	[dreg:$0x0] =	wrdreg $0x60  }
0xb0: {  	[dreg:$0x2] =	wrdreg s2  }
0xb1: {  	[dreg:$0x3] =	wrdreg s19  }
0xb2: {  	[dreg:$0x4] =	wrdreg s4  }
0xb3: {  	[dreg:$0x5] =	wrdreg $0x9  }
0xb4: {  	_ =	task.clear_ibuf [dreg:s9], $0x6FFFF;
	_ =	strace $0x90000046  }
0xb5: {  	s29 =	simm.s32 $0x9;
	_ =	strace $0x80000048  }
0xb6: {  	_ =	swait.ge [sflag:s29], $0x1  }
0xb7: {  	[sflag:s29] =	ssyncadd.s32 $0xFFFFFFFF  }
0xb8: {  	_ =	strace $0x90000048  }
0xb9: {  	_ =	sfence  }
0xba: {  	s30 =	sld [smem:$0x0];
	_ =	sdelay $0x2  }
0xbb: {  	s31 =	sshll.u32 s1, $0xD;
	s1 =	sshrl.u32 s1, $0x2  }
0xbc: {  	s3 =	sand.u32 $0x4000, s31;
	s1 =	sadd.s32 s1, s30  }
0xbd: {  	s0 =	sor.u32 s3, s0;
	s1 =	sshll.u32 s1, $0x11  }
0xbe: {  	s0 =	sor.u32 s1, s0  }
0xbf: {  	s0 =	sadd.s32 $0x8F2B, s0  }
0xc0: {  	[sflag:s0] =	ssyncadd.remote.s32 $0x1  }
0xc1: {  	_ =	sfence.sel $0xFFFF  }
0xc2: {  	[dreg:$0x0] =	wrdreg $0xFFFFFFFF;
	(pc) =	sbr.abs _section_cstart, $3  }
0xc3: {  	[dreg:$0x1] =	wrdreg $0xFFFFFFFF  }
0xc4: {  	_ =	task.clear_ibuf [dreg:s9], $0x2FFFF;
	_ =	strace $0x9FFFFFFF  }
0xc5: {  	(tm) =	ssettm $0x7FFFFFFF  }
tec
execute0_lowered:
.L_overlay_start_1:
0x0: {  	(tag) =	ssettag $0x1  }
0x1: {  	s2 =	rddreg [dreg:$0x0]  }
0x2: {  	s3 =	rddreg [dreg:$0x1]  }
0x3: {  	s0 =	rddreg [dreg:$0x2]  }
0x4: {  	s1 =	srdreg.scid;
	s9 =	stileid.u32;
	s4 =	simm.s32 $0x0  }
0x5: {  	s11 =	simm.s32 $0x80;
	s12 =	simm.s32 $0x200;
	s13 =	simm.s32 $0x4200  }
0x6: {  	s14 =	simm.s32 $0x100;
	s15 =	simm.s32 $0x8200;
	s16 =	simm.s32 $0x180  }
0x7: {  	s17 =	simm.s32 $0xC200;
	s18 =	simm.s32 $0x1;
	s5 =	smul.u32 $0x640000, s9  }
0x8: {  	s19 =	simm.s32 $0x2;
	s1 =	sand.u32 $0x1, s1;
	s10 =	smul.u32 $0x1900, s9  }
0x9: {  	s20 =	simm.s32 $0x3;
	s6 =	ssub.s32 $0x2, s1;
	s7 =	smul.u32 $0x320000, s1  }
0xa: {  	[smem:$0x7FF] =	sst s4;
	s1 =	smul.u32 $0xC80, s1;
	s8 =	sshrl.u32 s6, $0x1  }
0xb: {  	s21 =	simm.s32 $0x4;
	_ =	strace $0x80000047;
	s6 =	ssub.s32 s6, s8  }
0xc: {  	s5 =	sadd.s32 s7, s5;
	s31 =	sadd.s32 s1, s10;
	s10 =	simm.s32 $0x9  }
0xd: {  	s6 =	smax.u32 s6, $0x1;
	s26 =	sshrl.u32 s5, $0x3;
	s7 =	sor.u32 $0xC000, s5  }
0xe: {  	s28 =	sor.u32 $0x8000, s5;
	s29 =	sor.u32 $0x4000, s5;
	[dreg:$0x4] =	wrdreg s31  }
0xf: {  	[dreg:$0x5] =	wrdreg s6;
	s6 =	sadd.s32 s26, s0;
	s7 =	sshrl.u32 s7, $0x3  }
0x10: {  	s30 =	sshrl.u32 s28, $0x3;
	s9 =	sshrl.u32 s29, $0x3;
	s26 =	simm.s32 $0x0  }
0x11: {  	s5 =	sadd.s32 s7, s0;
	s8 =	sadd.s32 s30, s0;
	s9 =	sadd.s32 s9, s0  }
.LBB2_1:
0x12: {  	p0 =	por $0x1, $0x1  }
0x13: {  	s0 =	simm.s32 @!p0 $0x5  }
0x14: {  	_ =	swait.ge @!p0 [sflag:s0], $0x4000  }
0x15: {  	s1 =	rddreg [dreg:$0x4]  }
0x16: {  	s7 =	sand.u32 $0x40, s4;
	s1 =	sadd.s32 $0x0, s1  }
0x17: {  	s7 =	sadd.s32 s2, s7;
	[sflag:s0] =	ssyncset.done @!p0 $0x0;
	s1 =	sand.u32 $0xFFFFF80, s1  }
0x18: {  	[sflag:s0] =	ssyncadd.s32 @!p0 $0xFFFFC000;
	s24 =	sadd.s32 s1, s7  }
0x19: {  	[tilespmem:s4], [sflag:$0x9] =	stream.linear.gather [hbm4b:s24+s4], $0x80, $0x38;
	[tilespmem:$0x10200] =	vst v63  }
0x1a: {  	_ =	swait.ge [sflag:s10], $0x80  }
0x1b: {  	[sflag:s10] =	ssyncset.done $0x0  }
0x1c: {  	s25 =	simm.s32 $0x10;
	s0 =	simm.s32 @!p0 $0x6;
	[sflag:s10] =	ssyncadd.s32 $0xFFFFFF80  }
0x1d: {  	[tilespmem:s12], [sflag:$0x1] =	stream.indirect.gather [hbm4b:s3+s11], $0x80, s4, s11, $0xb8;
	[tilespmem:$0x10200] =	vst v63  }
0x1e: {  	s7 =	sand.u32 $0x50, s25;
	_ =	swait.ge @!p0 [sflag:s0], $0x4000  }
0x1f: {  	s7 =	sadd.s32 s2, s7;
	[sflag:s0] =	ssyncset.done @!p0 $0x0  }
0x20: {  	s7 =	sadd.s32 s1, s7;
	[sflag:s0] =	ssyncadd.s32 @!p0 $0xFFFFC000  }
0x21: {  	[tilespmem:s11], [sflag:$0x9] =	stream.linear.gather [hbm4b:s7+s4], $0x80, $0x38;
	[tilespmem:$0x10200] =	vst v63  }
0x22: {  	_ =	swait.ge [sflag:s10], $0x80  }
0x23: {  	[sflag:s10] =	ssyncset.done $0x0  }
0x24: {  	s22 =	simm.s32 $0x20;
	s0 =	simm.s32 @!p0 $0x7;
	[sflag:s10] =	ssyncadd.s32 $0xFFFFFF80  }
0x25: {  	[tilespmem:s13], [sflag:$0x2] =	stream.indirect.gather [hbm4b:s3+s11], $0x80, s11, s11, $0xb8;
	[tilespmem:$0x10200] =	vst v63  }
0x26: {  	s7 =	sand.u32 $0x60, s22;
	_ =	swait.ge @!p0 [sflag:s0], $0x4000  }
0x27: {  	s7 =	sadd.s32 s2, s7;
	[sflag:s0] =	ssyncset.done @!p0 $0x0  }
0x28: {  	s23 =	sadd.s32 s1, s7;
	[sflag:s0] =	ssyncadd.s32 @!p0 $0xFFFFC000  }
0x29: {  	[tilespmem:s14], [sflag:$0x9] =	stream.linear.gather [hbm4b:s23+s4], $0x80, $0x38;
	[tilespmem:$0x10200] =	vst v63  }
0x2a: {  	_ =	swait.ge [sflag:s10], $0x80  }
0x2b: {  	[sflag:s10] =	ssyncset.done $0x0  }
0x2c: {  	s24 =	simm.s32 $0x30;
	s0 =	simm.s32 @!p0 $0x8;
	[sflag:s10] =	ssyncadd.s32 $0xFFFFFF80  }
0x2d: {  	[tilespmem:s15], [sflag:$0x3] =	stream.indirect.gather [hbm4b:s3+s11], $0x80, s14, s11, $0xb8;
	[tilespmem:$0x10200] =	vst v63  }
0x2e: {  	s7 =	sand.u32 $0x70, s24;
	_ =	swait.ge @!p0 [sflag:s0], $0x4000  }
0x2f: {  	s7 =	sadd.s32 s2, s7;
	[sflag:s0] =	ssyncset.done @!p0 $0x0  }
0x30: {  	s25 =	sadd.s32 s1, s7;
	[sflag:s0] =	ssyncadd.s32 @!p0 $0xFFFFC000  }
0x31: {  	[tilespmem:s16], [sflag:$0x9] =	stream.linear.gather [hbm4b:s25+s4], $0x80, $0x38;
	[tilespmem:$0x10200] =	vst v63  }
0x32: {  	_ =	swait.ge [sflag:s10], $0x80  }
0x33: {  	[sflag:s10] =	ssyncset.done $0x0  }
0x34: {  	[sflag:s10] =	ssyncadd.s32 $0xFFFFFF80  }
0x35: {  	[tilespmem:s17], [sflag:$0x4] =	stream.indirect.gather [hbm4b:s3+s11], $0x80, s16, s11, $0xb8;
	[tilespmem:$0x10200] =	vst v63  }
0x36: {  	_ =	swait.ge [sflag:s18], $0x4000  }
0x37: {  	[sflag:s18] =	ssyncset.done $0x0  }
0x38: {  	[sflag:s18] =	ssyncadd.s32 $0xFFFFC000  }
0x39: {  	[hbm4b:s6+s4] =	stream.linear.scatter [tilespmem:s12], [sflag:$0x5], $0x4000, $0x38;
	[tilespmem:$0x10200] =	vst v63  }
0x3a: {  	_ =	swait.ge [sflag:s19], $0x4000  }
0x3b: {  	[sflag:s19] =	ssyncset.done $0x0  }
0x3c: {  	[sflag:s19] =	ssyncadd.s32 $0xFFFFC000  }
0x3d: {  	[hbm4b:s9+s4] =	stream.linear.scatter [tilespmem:s13], [sflag:$0x6], $0x4000, $0x38;
	[tilespmem:$0x10200] =	vst v63  }
0x3e: {  	_ =	swait.ge [sflag:s20], $0x4000  }
0x3f: {  	s29 =	sadd.s32 $0x2000, s9;
	s28 =	sadd.s32 $0x2000, s5;
	[sflag:s20] =	ssyncset.done $0x0  }
0x40: {  	s30 =	sadd.s32 $0x2000, s8;
	s31 =	sadd.s32 $0x2000, s6;
	[sflag:s20] =	ssyncadd.s32 $0xFFFFC000  }
0x41: {  	[hbm4b:s8+s4] =	stream.linear.scatter [tilespmem:s15], [sflag:$0x7], $0x4000, $0x38;
	[tilespmem:$0x10200] =	vst v63  }
0x42: {  	s1 =	simm.s32 $0x80;
	s7 =	smov.u32 s5;
	_ =	swait.ge [sflag:s21], $0x4000  }
0x43: {  	s0 =	simm.s32 $0x40;
	p0 =	por $0x0, $0x0;
	[sflag:s21] =	ssyncset.done $0x0  }
.LBB2_2:
0x44: {  	s23 =	simm.s32 @!p0 $0x5;
	[sflag:s21] =	ssyncadd.s32 $0xFFFFC000  }
0x45: {  	[hbm4b:s7+s4] =	stream.linear.scatter [tilespmem:s17], [sflag:$0x8], $0x4000, $0x38;
	[tilespmem:$0x10200] =	vst v63  }
0x46: {  	_ =	swait.ge @!p0 [sflag:s23], $0x4000  }
0x47: {  	s24 =	rddreg [dreg:$0x4]  }
0x48: {  	s25 =	sand.u32 $0x40, s0;
	[sflag:s23] =	ssyncset.done @!p0 $0x0;
	s24 =	sadd.s32 s0, s24  }
0x49: {  	[sflag:s23] =	ssyncadd.s32 @!p0 $0xFFFFC000;
	s23 =	sand.u32 $0xFFFFF80, s24;
	s24 =	sadd.s32 s2, s25  }
0x4a: {  	s24 =	sadd.s32 s23, s24  }
0x4b: {  	[tilespmem:s4], [sflag:$0x9] =	stream.linear.gather [hbm4b:s24+s4], $0x80, $0x38;
	[tilespmem:$0x10200] =	vst v63  }
0x4c: {  	_ =	swait.ge [sflag:s10], $0x80  }
0x4d: {  	[sflag:s10] =	ssyncset.done $0x0  }
0x4e: {  	s25 =	sadd.s32 $0x10, s0;
	s24 =	simm.s32 @!p0 $0x6;
	[sflag:s10] =	ssyncadd.s32 $0xFFFFFF80  }
0x4f: {  	[tilespmem:s12], [sflag:$0x1] =	stream.indirect.gather [hbm4b:s3+s11], $0x80, s4, s11, $0xb8;
	[tilespmem:$0x10200] =	vst v63  }
0x50: {  	s25 =	sand.u32 $0x50, s25;
	_ =	swait.ge @!p0 [sflag:s24], $0x4000  }
0x51: {  	s25 =	sadd.s32 s2, s25;
	[sflag:s24] =	ssyncset.done @!p0 $0x0  }
0x52: {  	s25 =	sadd.s32 s23, s25;
	[sflag:s24] =	ssyncadd.s32 @!p0 $0xFFFFC000  }
0x53: {  	[tilespmem:s11], [sflag:$0x9] =	stream.linear.gather [hbm4b:s25+s4], $0x80, $0x38;
	[tilespmem:$0x10200] =	vst v63  }
0x54: {  	_ =	swait.ge [sflag:s10], $0x80  }
0x55: {  	[sflag:s10] =	ssyncset.done $0x0  }
0x56: {  	s24 =	simm.s32 @!p0 $0x7;
	s25 =	sadd.s32 $0x20, s0;
	[sflag:s10] =	ssyncadd.s32 $0xFFFFFF80  }
0x57: {  	[tilespmem:s13], [sflag:$0x2] =	stream.indirect.gather [hbm4b:s3+s11], $0x80, s11, s11, $0xb8;
	[tilespmem:$0x10200] =	vst v63  }
0x58: {  	s25 =	sand.u32 $0x60, s25;
	_ =	swait.ge @!p0 [sflag:s24], $0x4000  }
0x59: {  	s25 =	sadd.s32 s2, s25;
	[sflag:s24] =	ssyncset.done @!p0 $0x0  }
0x5a: {  	s25 =	sadd.s32 s23, s25;
	[sflag:s24] =	ssyncadd.s32 @!p0 $0xFFFFC000  }
0x5b: {  	[tilespmem:s14], [sflag:$0x9] =	stream.linear.gather [hbm4b:s25+s4], $0x80, $0x38;
	[tilespmem:$0x10200] =	vst v63  }
0x5c: {  	_ =	swait.ge [sflag:s10], $0x80  }
0x5d: {  	[sflag:s10] =	ssyncset.done $0x0  }
0x5e: {  	s24 =	simm.s32 @!p0 $0x8;
	s25 =	sadd.s32 $0x30, s0;
	[sflag:s10] =	ssyncadd.s32 $0xFFFFFF80  }
0x5f: {  	[tilespmem:s15], [sflag:$0x3] =	stream.indirect.gather [hbm4b:s3+s11], $0x80, s14, s11, $0xb8;
	[tilespmem:$0x10200] =	vst v63  }
0x60: {  	s25 =	sand.u32 $0x70, s25;
	_ =	swait.ge @!p0 [sflag:s24], $0x4000  }
0x61: {  	s22 =	smov.u32 s1;
	s25 =	sadd.s32 s2, s25;
	[sflag:s24] =	ssyncset.done @!p0 $0x0  }
0x62: {  	s0 =	smov.u32 s22;
	s22 =	sadd.s32 s23, s25;
	[sflag:s24] =	ssyncadd.s32 @!p0 $0xFFFFC000  }
0x63: {  	[tilespmem:s16], [sflag:$0x9] =	stream.linear.gather [hbm4b:s22+s4], $0x80, $0x38;
	[tilespmem:$0x10200] =	vst v63  }
0x64: {  	_ =	swait.ge [sflag:s10], $0x80  }
0x65: {  	[sflag:s10] =	ssyncset.done $0x0  }
0x66: {  	[sflag:s10] =	ssyncadd.s32 $0xFFFFFF80  }
0x67: {  	[tilespmem:s17], [sflag:$0x4] =	stream.indirect.gather [hbm4b:s3+s11], $0x80, s16, s11, $0xb8;
	[tilespmem:$0x10200] =	vst v63  }
0x68: {  	_ =	swait.ge [sflag:s18], $0x4000  }
0x69: {  	[sflag:s18] =	ssyncset.done $0x0  }
0x6a: {  	[sflag:s18] =	ssyncadd.s32 $0xFFFFC000  }
0x6b: {  	[hbm4b:s31+s4] =	stream.linear.scatter [tilespmem:s12], [sflag:$0x5], $0x4000, $0x38;
	[tilespmem:$0x10200] =	vst v63  }
0x6c: {  	_ =	swait.ge [sflag:s19], $0x4000  }
0x6d: {  	[sflag:s19] =	ssyncset.done $0x0  }
0x6e: {  	s1 =	sadd.s32 $0x40, s1;
	[sflag:s19] =	ssyncadd.s32 $0xFFFFC000  }
0x6f: {  	[hbm4b:s29+s4] =	stream.linear.scatter [tilespmem:s13], [sflag:$0x6], $0x4000, $0x38;
	[tilespmem:$0x10200] =	vst v63  }
0x70: {  	p1 =	sne.s32 s1, $0xC80;
	_ =	swait.ge [sflag:s20], $0x4000  }
.Ltmp0:
0x71: {  	[sflag:s20] =	ssyncset.done $0x0;
	(pc) =	sbr.rel @p1 .LBB2_2-.Ltmp0, $4  }
0x72: {  	s7 =	smov.u32 s28;
	s28 =	sadd.s32 $0x2000, s28;
	[sflag:s20] =	ssyncadd.s32 $0xFFFFC000  }
0x73: {  	[hbm4b:s30+s4] =	stream.linear.scatter [tilespmem:s15], [sflag:$0x7], $0x4000, $0x38;
	[tilespmem:$0x10200] =	vst v63  }
0x74: {  	p0 =	seq.s32 s0, $0x0;
	s31 =	sadd.s32 $0x2000, s31;
	_ =	swait.ge [sflag:s21], $0x4000  }
0x75: {  	s29 =	sadd.s32 $0x2000, s29;
	s30 =	sadd.s32 $0x2000, s30;
	[sflag:s21] =	ssyncset.done $0x0  }
0x76: {  	s1 =	simm.s32 @!p0 $0x5;
	[sflag:s21] =	ssyncadd.s32 $0xFFFFC000  }
0x77: {  	[hbm4b:s7+s4] =	stream.linear.scatter [tilespmem:s17], [sflag:$0x8], $0x4000, $0x38;
	[tilespmem:$0x10200] =	vst v63  }
0x78: {  	_ =	swait.ge @!p0 [sflag:s1], $0x4000  }
0x79: {  	s25 =	rddreg [dreg:$0x4]  }
0x7a: {  	s22 =	sand.u32 $0x40, s0;
	s7 =	sadd.s32 s0, s25  }
0x7b: {  	s22 =	sadd.s32 s2, s22;
	[sflag:s1] =	ssyncset.done @!p0 $0x0;
	s7 =	sand.u32 $0xFFFFF80, s7  }
0x7c: {  	[sflag:s1] =	ssyncadd.s32 @!p0 $0xFFFFC000;
	s22 =	sadd.s32 s7, s22  }
0x7d: {  	[tilespmem:s4], [sflag:$0x9] =	stream.linear.gather [hbm4b:s22+s4], $0x80, $0x38;
	[tilespmem:$0x10200] =	vst v63  }
0x7e: {  	_ =	swait.ge [sflag:s10], $0x80  }
0x7f: {  	[sflag:s10] =	ssyncset.done $0x0  }
0x80: {  	s23 =	sadd.s32 $0x10, s0;
	s1 =	simm.s32 @!p0 $0x6;
	[sflag:s10] =	ssyncadd.s32 $0xFFFFFF80  }
0x81: {  	[tilespmem:s12], [sflag:$0x1] =	stream.indirect.gather [hbm4b:s3+s11], $0x80, s4, s11, $0xb8;
	[tilespmem:$0x10200] =	vst v63  }
0x82: {  	s22 =	sand.u32 $0x50, s23;
	_ =	swait.ge @!p0 [sflag:s1], $0x4000  }
0x83: {  	s22 =	sadd.s32 s2, s22;
	[sflag:s1] =	ssyncset.done @!p0 $0x0  }
0x84: {  	s24 =	sadd.s32 s7, s22;
	[sflag:s1] =	ssyncadd.s32 @!p0 $0xFFFFC000  }
0x85: {  	[tilespmem:s11], [sflag:$0x9] =	stream.linear.gather [hbm4b:s24+s4], $0x80, $0x38;
	[tilespmem:$0x10200] =	vst v63  }
0x86: {  	_ =	swait.ge [sflag:s10], $0x80  }
0x87: {  	[sflag:s10] =	ssyncset.done $0x0  }
0x88: {  	s25 =	sadd.s32 $0x20, s0;
	s1 =	simm.s32 @!p0 $0x7;
	[sflag:s10] =	ssyncadd.s32 $0xFFFFFF80  }
0x89: {  	[tilespmem:s13], [sflag:$0x2] =	stream.indirect.gather [hbm4b:s3+s11], $0x80, s11, s11, $0xb8;
	[tilespmem:$0x10200] =	vst v63  }
0x8a: {  	s22 =	sand.u32 $0x60, s25;
	_ =	swait.ge @!p0 [sflag:s1], $0x4000  }
0x8b: {  	s22 =	sadd.s32 s2, s22;
	[sflag:s1] =	ssyncset.done @!p0 $0x0  }
0x8c: {  	s23 =	sadd.s32 s7, s22;
	[sflag:s1] =	ssyncadd.s32 @!p0 $0xFFFFC000  }
0x8d: {  	[tilespmem:s14], [sflag:$0x9] =	stream.linear.gather [hbm4b:s23+s4], $0x80, $0x38;
	[tilespmem:$0x10200] =	vst v63  }
0x8e: {  	_ =	swait.ge [sflag:s10], $0x80  }
0x8f: {  	[sflag:s10] =	ssyncset.done $0x0  }
0x90: {  	s24 =	sadd.s32 $0x30, s0;
	s1 =	simm.s32 @!p0 $0x8;
	[sflag:s10] =	ssyncadd.s32 $0xFFFFFF80  }
0x91: {  	[tilespmem:s15], [sflag:$0x3] =	stream.indirect.gather [hbm4b:s3+s11], $0x80, s14, s11, $0xb8;
	[tilespmem:$0x10200] =	vst v63  }
0x92: {  	s0 =	sand.u32 $0x70, s24;
	_ =	swait.ge @!p0 [sflag:s1], $0x4000  }
0x93: {  	s0 =	sadd.s32 s2, s0;
	[sflag:s1] =	ssyncset.done @!p0 $0x0  }
0x94: {  	s0 =	sadd.s32 s7, s0;
	[sflag:s1] =	ssyncadd.s32 @!p0 $0xFFFFC000  }
0x95: {  	[tilespmem:s16], [sflag:$0x9] =	stream.linear.gather [hbm4b:s0+s4], $0x80, $0x38;
	[tilespmem:$0x10200] =	vst v63  }
0x96: {  	_ =	swait.ge [sflag:s10], $0x80  }
0x97: {  	[sflag:s10] =	ssyncset.done $0x0  }
0x98: {  	[sflag:s10] =	ssyncadd.s32 $0xFFFFFF80  }
0x99: {  	[tilespmem:s17], [sflag:$0x4] =	stream.indirect.gather [hbm4b:s3+s11], $0x80, s16, s11, $0xb8;
	[tilespmem:$0x10200] =	vst v63  }
0x9a: {  	_ =	swait.ge [sflag:s18], $0x4000  }
0x9b: {  	[sflag:s18] =	ssyncset.done $0x0  }
0x9c: {  	[sflag:s18] =	ssyncadd.s32 $0xFFFFC000  }
0x9d: {  	[hbm4b:s31+s4] =	stream.linear.scatter [tilespmem:s12], [sflag:$0x5], $0x4000, $0x38;
	[tilespmem:$0x10200] =	vst v63  }
0x9e: {  	_ =	swait.ge [sflag:s19], $0x4000  }
0x9f: {  	[sflag:s19] =	ssyncset.done $0x0  }
0xa0: {  	[sflag:s19] =	ssyncadd.s32 $0xFFFFC000  }
0xa1: {  	[hbm4b:s29+s4] =	stream.linear.scatter [tilespmem:s13], [sflag:$0x6], $0x4000, $0x38;
	[tilespmem:$0x10200] =	vst v63  }
0xa2: {  	_ =	swait.ge [sflag:s20], $0x4000  }
0xa3: {  	[sflag:s20] =	ssyncset.done $0x0  }
0xa4: {  	[sflag:s20] =	ssyncadd.s32 $0xFFFFC000  }
0xa5: {  	[hbm4b:s30+s4] =	stream.linear.scatter [tilespmem:s15], [sflag:$0x7], $0x4000, $0x38;
	[tilespmem:$0x10200] =	vst v63  }
0xa6: {  	_ =	swait.ge [sflag:s21], $0x4000  }
0xa7: {  	[sflag:s21] =	ssyncset.done $0x0  }
0xa8: {  	s25 =	simm.s32 $0x5;
	[sflag:s21] =	ssyncadd.s32 $0xFFFFC000  }
0xa9: {  	[hbm4b:s28+s4] =	stream.linear.scatter [tilespmem:s17], [sflag:$0x8], $0x4000, $0x38;
	[tilespmem:$0x10200] =	vst v63  }
0xaa: {  	_ =	swait.ge [sflag:s25], $0x4000  }
0xab: {  	[sflag:s25] =	ssyncset.done $0x0  }
0xac: {  	s28 =	simm.s32 $0x6;
	[sflag:s25] =	ssyncadd.s32 $0xFFFFC000  }
0xad: {  	_ =	swait.ge [sflag:s28], $0x4000  }
0xae: {  	[sflag:s28] =	ssyncset.done $0x0  }
0xaf: {  	s29 =	simm.s32 $0x7;
	[sflag:s28] =	ssyncadd.s32 $0xFFFFC000  }
0xb0: {  	_ =	swait.ge [sflag:s29], $0x4000  }
0xb1: {  	[sflag:s29] =	ssyncset.done $0x0  }
0xb2: {  	s30 =	simm.s32 $0x8;
	[sflag:s29] =	ssyncadd.s32 $0xFFFFC000  }
0xb3: {  	_ =	swait.ge [sflag:s30], $0x4000  }
0xb4: {  	s26 =	sadd.s32 $0x1, s26;
	s31 =	rddreg [dreg:$0x5]  }
0xb5: {  	p0 =	sne.s32 s26, s31  }
.Ltmp1:
0xb6: {  	_ = 	snop;
	(pc) =	sbr.rel @p0 .LBB2_1-.Ltmp1, $3  }
0xb7: {  	_ =	sdelay $0x1  }
0xb8: {  	[sflag:s30] =	ssyncset.done $0x0  }
0xb9: {  	[sflag:s30] =	ssyncadd.s32 $0xFFFFC000  }
0xba: {  	_ =	sfence.sel $0x180000  }
0xbb: {  	[bflag:$0x0] =	sbarrier.arrive $0xFFFF  }
0xbc: {  	_ =	strace $0x90000047  }
0xbd: {  	s0 =	stileid.u32;
	[bflag:$0x2] =	sbarrier.arrive $0xFFFF  }
0xbe: {  	p0 =	sne.s32 s0, $0x0;
	s0 =	rddreg [dreg:$0x3]  }
0xbf: {  	s0 =	sadd.s32 @!p0 $0x100000, s0  }
0xc0: {  	[sflag:s0] =	ssyncadd.tile.s32 @!p0 $0x1;
	_ =	shalt  }
.Lfunc_end2:
_tile_overlayer_lowered:
.L_overlay_start_2:
0xc1: {  	(tag) =	ssettag $0x2  }
0xc2: {  	s0 =	rddreg [dreg:$0x0];
	s2 =	stileid.u32  }
0xc3: {  	s1 =	rddreg [dreg:$0x1];
	p0 =	sne.s32 s2, $0x0  }
0xc4: {  	s3 =	rddreg [dreg:$0x2];
	[bflag:$0x3] =	sbarrier.arrive $0xFFFF;
	s2 =	simm.s32 @!p0 $0x1C09  }
0xc5: {  	[timem:s3], [sflag:s2] =	dma.local @!p0 [hbm:s0], s1  }
0xc6: {  	s0 =	simm.s32 @!p0 $0x9  }
0xc7: {  	_ =	swait.ge @!p0 [sflag:s0], s1  }
0xc8: {  	s1 =	ssub.s32 @!p0 $0x0, s1;
	[sflag:s0] =	ssyncset.done @!p0 $0x0  }
0xc9: {  	[sflag:s0] =	ssyncadd.s32 @!p0 s1  }
0xca: {  	[bflag:$0x3] =	sbarrier.arrive $0xFFFF  }
0xcb: {  	_ =	shalt  }

</sc_bundles>
